<compile_context>
chip_gen: v7x
topology: tpu7x:2x2x1
jax: 0.10.2.dev20260603
libtpu: 0.0.44.dev20260713+nightly
codegen_flags: <defaults>
</compile_context>

<pallas_src>
import functools

import jax
import jax.numpy as jnp
from jax import lax
from jax.experimental import pallas as pl
from jax.experimental.pallas import tpu as pltpu
from jax.experimental.pallas import tpu_sc as plsc

PRE_SEQ_LEN = 128
HIDDEN = 768
EMB_DIM = 24 * HIDDEN
BATCH = 32
ROWS = BATCH * PRE_SEQ_LEN

NW = 32
TPW = PRE_SEQ_LEN // NW
NCHUNK = ROWS // 16


def _sc_scatter(table1, comb):
    info = plsc.get_sparse_core_info()
    nc = info.num_cores
    mesh = plsc.VectorSubcoreMesh(core_axis_name="c", subcore_axis_name="s")

    @functools.partial(
        pl.kernel,
        out_type=jax.ShapeDtypeStruct((ROWS, EMB_DIM), jnp.float32),
        mesh=mesh,
        scratch_types=[
            pltpu.VMEM((1, TPW * EMB_DIM), jnp.float32),
            pltpu.VMEM((NCHUNK, 16), jnp.int32),
            pltpu.SemaphoreType.DMA,
        ],
    )
    def k(t_hbm, c_hbm, out_hbm, slots, cv, sem):
        c = lax.axis_index("c")
        s = lax.axis_index("s")
        w = s * nc + c
        lo = w * TPW

        for m in range(TPW):
            pltpu.sync_copy(t_hbm.at[pl.ds(lo + m, 1)],
                            slots.at[:, pl.ds(m * EMB_DIM, EMB_DIM)])
        pltpu.sync_copy(c_hbm.at[w], cv)

        def wait_rows(n_static):
            for _ in range(n_static):
                pltpu.make_async_copy(
                    t_hbm.at[pl.ds(0, 1)],
                    slots.at[:, pl.ds(0, EMB_DIM)], sem).wait()

        def chunk(j, outstanding):
            row = cv[j]
            nh = row[8]

            @pl.when(nh > 0)
            def _():
                for kk in range(16):
                    ix = jnp.bitwise_and(
                        jnp.right_shift(row[kk // 2], 16 * (kk % 2)),
                        jnp.int32(0xFFFF))

                    @pl.when(jnp.logical_and(ix >= lo, ix < lo + TPW))
                    def _():
                        pltpu.async_copy(
                            slots.at[:, pl.ds((ix - lo) * EMB_DIM,
                                              EMB_DIM)],
                            out_hbm.at[pl.ds(j * 16 + kk, 1)],
                            sem)

            outstanding = outstanding + nh

            @pl.when(outstanding >= 32)
            def _():
                wait_rows(16)

            return jnp.where(outstanding >= 32, outstanding - 16,
                             outstanding)

        left = lax.fori_loop(0, NCHUNK, chunk, jnp.int32(0))

        def drain(i, carry):
            wait_rows(1)
            return carry

        lax.fori_loop(0, left, drain, jnp.int32(0))

    return k(table1, comb)


def kernel(prefix, table):
    pref2 = prefix.astype(jnp.int32).reshape(NCHUNK, 16)
    owner = jnp.right_shift(pref2, 2)
    nhw = (owner[None, :, :] ==
           jnp.arange(NW, dtype=jnp.int32)[:, None, None]).astype(
               jnp.int32).sum(-1)
    words = jnp.bitwise_or(pref2[:, 0::2],
                           jnp.left_shift(pref2[:, 1::2], 16))
    comb = jnp.concatenate(
        [jnp.broadcast_to(words[None], (NW, NCHUNK, 8)),
         nhw[:, :, None],
         jnp.zeros((NW, NCHUNK, 7), jnp.int32)], axis=2)
    out = _sc_scatter(table, comb)
    return out.reshape(BATCH, PRE_SEQ_LEN, EMB_DIM)

# --- scband reference (transcript-rebuilt; emitter-appended) ---
"""Pipeline reference for scband-prefix-encoder-73254962201168 (READ-ONLY COPY).

The authoritative reference and input builder live on the scoring server;
editing this copy changes nothing except your own understanding.
"""

import jax, jax.numpy as jnp
import numpy as np

PRE_SEQ_LEN = 128
HIDDEN = 768
NUM_LAYERS = 12
EMB_DIM = NUM_LAYERS * 2 * HIDDEN  # 18432
BATCH = 32


def setup_inputs(seed: int = 0) -> dict:
    key = jax.random.key(seed)
    k1, k2 = jax.random.split(key)
    prefix = jax.random.randint(k1, (BATCH, PRE_SEQ_LEN), 0, PRE_SEQ_LEN, dtype=jnp.int64 if jax.config.read('jax_enable_x64') else jnp.int32)
    table = jax.random.normal(k2, (PRE_SEQ_LEN, EMB_DIM), dtype=jnp.float32) * 0.02
    return {"prefix": prefix, "table": table}


def reference(prefix, table):
    # PrefixEncoder with prefix_projection=False: pure embedding lookup.
    # past_key_values = self.embedding(prefix)
    past_key_values = jnp.take(table, prefix, axis=0)
    return past_key_values

if __name__ == "__main__":
    import jax
    _d = setup_inputs()
    print(jax.jit(kernel)(*tuple(_d.values())))

</pallas_src>

<mosaic_0001>
#map = affine_map<(d0, d1) -> (0, 0)>
#map1 = affine_map<(d0, d1) -> (0, 0, 0)>
module attributes {stable_mosaic.version = 14 : i64} {
  func.func @k(%arg0: i32, %arg1: i32, %arg2: memref<128x18432xf32, #tpu.memory_space<hbm>>, %arg3: memref<32x256x16xi32, #tpu.memory_space<hbm>>, %arg4: memref<4096x18432xf32, #tpu.memory_space<hbm>>, %arg5: memref<1x73728xf32, #tpu.memory_space<vmem>>, %arg6: memref<256x16xi32, #tpu.memory_space<vmem>>, %arg7: memref<!tpu.dma_semaphore, #tpu.memory_space<semaphore_mem>>) attributes {dimension_semantics = [#tpu.dimension_semantics<core_parallel>, #tpu.dimension_semantics<subcore_parallel>], iteration_bounds = array<i64: 2, 16>, scalar_prefetch = 0 : i64, scratch_operands = 3 : i64, tpu.core_type = #tpu.core_type<sc_vector_subcore>, window_params = [{transform_indices = #map}, {transform_indices = #map1}, {transform_indices = #map}]} {
    %mul3A = arith.constant 2 : i32
    %mul3A_0 = arith.muli %arg1, %mul3A : i32
    %add3A = arith.addi %mul3A_0, %arg0 : i32
    %mul3A_1 = arith.constant 4 : i32
    %mul3A_2 = arith.muli %add3A, %mul3A_1 : i32
    %add3A_3 = arith.constant 0 : i32
    %add3A_4 = arith.addi %mul3A_2, %add3A_3 : i32
    "tpu.region"() ({
      %run_scoped3A = tpu.sem_alloc : memref<!tpu.dma_semaphore, #tpu.memory_space<semaphore_mem>>
      %dma_start3A = arith.constant 0 : i32
      %dma_start3A_26 = arith.constant 0 : i32
      %dma_start3A_27 = tpu.memref_slice %arg5[%dma_start3A, %dma_start3A_26] : memref<1x73728xf32, #tpu.memory_space<vmem>> -> memref<1x18432xf32, #tpu.memory_space<vmem>>
      %dma_start3A_28 = arith.constant 0 : i32
      %dma_start3A_29 = tpu.memref_slice %arg2[%add3A_4, %dma_start3A_28] : memref<128x18432xf32, #tpu.memory_space<hbm>> -> memref<1x18432xf32, #tpu.memory_space<hbm>>
      %dma_start3A_30 = arith.constant 0 : i32
      %dma_start3A_31 = arith.constant 0 : i32
      %dma_start3A_32 = tpu.memref_slice %arg5[%dma_start3A_30, %dma_start3A_31] : memref<1x73728xf32, #tpu.memory_space<vmem>> -> memref<1x18432xf32, #tpu.memory_space<vmem>>
      %dma_start3A_33 = arith.constant 0 : i32
      %dma_start3A_34 = tpu.memref_slice %arg2[%add3A_4, %dma_start3A_33] : memref<128x18432xf32, #tpu.memory_space<hbm>> -> memref<1x18432xf32, #tpu.memory_space<hbm>>
      tpu.enqueue_dma source(%dma_start3A_34 : memref<1x18432xf32, #tpu.memory_space<hbm>>) target(%dma_start3A_32 : memref<1x18432xf32, #tpu.memory_space<vmem>>) target_semaphore(%run_scoped3A : memref<!tpu.dma_semaphore, #tpu.memory_space<semaphore_mem>>)
      %dma_wait3A = arith.constant 0 : i32
      %dma_wait3A_35 = arith.constant 0 : i32
      %dma_wait3A_36 = tpu.memref_slice %arg5[%dma_wait3A, %dma_wait3A_35] : memref<1x73728xf32, #tpu.memory_space<vmem>> -> memref<1x18432xf32, #tpu.memory_space<vmem>>
      %dma_wait3A_37 = arith.constant 0 : i32
      %dma_wait3A_38 = tpu.memref_slice %arg2[%add3A_4, %dma_wait3A_37] : memref<128x18432xf32, #tpu.memory_space<hbm>> -> memref<1x18432xf32, #tpu.memory_space<hbm>>
      %dma_wait3A_39 = arith.constant 0 : i32
      %dma_wait3A_40 = arith.constant 0 : i32
      %dma_wait3A_41 = tpu.memref_slice %arg5[%dma_wait3A_39, %dma_wait3A_40] : memref<1x73728xf32, #tpu.memory_space<vmem>> -> memref<1x18432xf32, #tpu.memory_space<vmem>>
      %dma_wait3A_42 = arith.constant 0 : i32
      %dma_wait3A_43 = tpu.memref_slice %arg2[%add3A_4, %dma_wait3A_42] : memref<128x18432xf32, #tpu.memory_space<hbm>> -> memref<1x18432xf32, #tpu.memory_space<hbm>>
      tpu.wait_dma2 semaphore(%run_scoped3A : memref<!tpu.dma_semaphore, #tpu.memory_space<semaphore_mem>>) src(%dma_wait3A_43 : memref<1x18432xf32, #tpu.memory_space<hbm>>) dst(%dma_wait3A_41 : memref<1x18432xf32, #tpu.memory_space<vmem>>)
      tpu.yield
    }) : () -> ()
    %add3A_5 = arith.constant 1 : i32
    %add3A_6 = arith.addi %mul3A_2, %add3A_5 : i32
    "tpu.region"() ({
      %run_scoped3A = tpu.sem_alloc : memref<!tpu.dma_semaphore, #tpu.memory_space<semaphore_mem>>
      %dma_start3A = arith.constant 0 : i32
      %dma_start3A_26 = arith.constant 18432 : i32
      %dma_start3A_27 = tpu.memref_slice %arg5[%dma_start3A, %dma_start3A_26] : memref<1x73728xf32, #tpu.memory_space<vmem>> -> memref<1x18432xf32, #tpu.memory_space<vmem>>
      %dma_start3A_28 = arith.constant 0 : i32
      %dma_start3A_29 = tpu.memref_slice %arg2[%add3A_6, %dma_start3A_28] : memref<128x18432xf32, #tpu.memory_space<hbm>> -> memref<1x18432xf32, #tpu.memory_space<hbm>>
      %dma_start3A_30 = arith.constant 0 : i32
      %dma_start3A_31 = arith.constant 18432 : i32
      %dma_start3A_32 = tpu.memref_slice %arg5[%dma_start3A_30, %dma_start3A_31] : memref<1x73728xf32, #tpu.memory_space<vmem>> -> memref<1x18432xf32, #tpu.memory_space<vmem>>
      %dma_start3A_33 = arith.constant 0 : i32
      %dma_start3A_34 = tpu.memref_slice %arg2[%add3A_6, %dma_start3A_33] : memref<128x18432xf32, #tpu.memory_space<hbm>> -> memref<1x18432xf32, #tpu.memory_space<hbm>>
      tpu.enqueue_dma source(%dma_start3A_34 : memref<1x18432xf32, #tpu.memory_space<hbm>>) target(%dma_start3A_32 : memref<1x18432xf32, #tpu.memory_space<vmem>>) target_semaphore(%run_scoped3A : memref<!tpu.dma_semaphore, #tpu.memory_space<semaphore_mem>>)
      %dma_wait3A = arith.constant 0 : i32
      %dma_wait3A_35 = arith.constant 18432 : i32
      %dma_wait3A_36 = tpu.memref_slice %arg5[%dma_wait3A, %dma_wait3A_35] : memref<1x73728xf32, #tpu.memory_space<vmem>> -> memref<1x18432xf32, #tpu.memory_space<vmem>>
      %dma_wait3A_37 = arith.constant 0 : i32
      %dma_wait3A_38 = tpu.memref_slice %arg2[%add3A_6, %dma_wait3A_37] : memref<128x18432xf32, #tpu.memory_space<hbm>> -> memref<1x18432xf32, #tpu.memory_space<hbm>>
      %dma_wait3A_39 = arith.constant 0 : i32
      %dma_wait3A_40 = arith.constant 18432 : i32
      %dma_wait3A_41 = tpu.memref_slice %arg5[%dma_wait3A_39, %dma_wait3A_40] : memref<1x73728xf32, #tpu.memory_space<vmem>> -> memref<1x18432xf32, #tpu.memory_space<vmem>>
      %dma_wait3A_42 = arith.constant 0 : i32
      %dma_wait3A_43 = tpu.memref_slice %arg2[%add3A_6, %dma_wait3A_42] : memref<128x18432xf32, #tpu.memory_space<hbm>> -> memref<1x18432xf32, #tpu.memory_space<hbm>>
      tpu.wait_dma2 semaphore(%run_scoped3A : memref<!tpu.dma_semaphore, #tpu.memory_space<semaphore_mem>>) src(%dma_wait3A_43 : memref<1x18432xf32, #tpu.memory_space<hbm>>) dst(%dma_wait3A_41 : memref<1x18432xf32, #tpu.memory_space<vmem>>)
      tpu.yield
    }) : () -> ()
    %add3A_7 = arith.constant 2 : i32
    %add3A_8 = arith.addi %mul3A_2, %add3A_7 : i32
    "tpu.region"() ({
      %run_scoped3A = tpu.sem_alloc : memref<!tpu.dma_semaphore, #tpu.memory_space<semaphore_mem>>
      %dma_start3A = arith.constant 0 : i32
      %dma_start3A_26 = arith.constant 36864 : i32
      %dma_start3A_27 = tpu.memref_slice %arg5[%dma_start3A, %dma_start3A_26] : memref<1x73728xf32, #tpu.memory_space<vmem>> -> memref<1x18432xf32, #tpu.memory_space<vmem>>
      %dma_start3A_28 = arith.constant 0 : i32
      %dma_start3A_29 = tpu.memref_slice %arg2[%add3A_8, %dma_start3A_28] : memref<128x18432xf32, #tpu.memory_space<hbm>> -> memref<1x18432xf32, #tpu.memory_space<hbm>>
      %dma_start3A_30 = arith.constant 0 : i32
      %dma_start3A_31 = arith.constant 36864 : i32
      %dma_start3A_32 = tpu.memref_slice %arg5[%dma_start3A_30, %dma_start3A_31] : memref<1x73728xf32, #tpu.memory_space<vmem>> -> memref<1x18432xf32, #tpu.memory_space<vmem>>
      %dma_start3A_33 = arith.constant 0 : i32
      %dma_start3A_34 = tpu.memref_slice %arg2[%add3A_8, %dma_start3A_33] : memref<128x18432xf32, #tpu.memory_space<hbm>> -> memref<1x18432xf32, #tpu.memory_space<hbm>>
      tpu.enqueue_dma source(%dma_start3A_34 : memref<1x18432xf32, #tpu.memory_space<hbm>>) target(%dma_start3A_32 : memref<1x18432xf32, #tpu.memory_space<vmem>>) target_semaphore(%run_scoped3A : memref<!tpu.dma_semaphore, #tpu.memory_space<semaphore_mem>>)
      %dma_wait3A = arith.constant 0 : i32
      %dma_wait3A_35 = arith.constant 36864 : i32
      %dma_wait3A_36 = tpu.memref_slice %arg5[%dma_wait3A, %dma_wait3A_35] : memref<1x73728xf32, #tpu.memory_space<vmem>> -> memref<1x18432xf32, #tpu.memory_space<vmem>>
      %dma_wait3A_37 = arith.constant 0 : i32
      %dma_wait3A_38 = tpu.memref_slice %arg2[%add3A_8, %dma_wait3A_37] : memref<128x18432xf32, #tpu.memory_space<hbm>> -> memref<1x18432xf32, #tpu.memory_space<hbm>>
      %dma_wait3A_39 = arith.constant 0 : i32
      %dma_wait3A_40 = arith.constant 36864 : i32
      %dma_wait3A_41 = tpu.memref_slice %arg5[%dma_wait3A_39, %dma_wait3A_40] : memref<1x73728xf32, #tpu.memory_space<vmem>> -> memref<1x18432xf32, #tpu.memory_space<vmem>>
      %dma_wait3A_42 = arith.constant 0 : i32
      %dma_wait3A_43 = tpu.memref_slice %arg2[%add3A_8, %dma_wait3A_42] : memref<128x18432xf32, #tpu.memory_space<hbm>> -> memref<1x18432xf32, #tpu.memory_space<hbm>>
      tpu.wait_dma2 semaphore(%run_scoped3A : memref<!tpu.dma_semaphore, #tpu.memory_space<semaphore_mem>>) src(%dma_wait3A_43 : memref<1x18432xf32, #tpu.memory_space<hbm>>) dst(%dma_wait3A_41 : memref<1x18432xf32, #tpu.memory_space<vmem>>)
      tpu.yield
    }) : () -> ()
    %add3A_9 = arith.constant 3 : i32
    %add3A_10 = arith.addi %mul3A_2, %add3A_9 : i32
    "tpu.region"() ({
      %run_scoped3A = tpu.sem_alloc : memref<!tpu.dma_semaphore, #tpu.memory_space<semaphore_mem>>
      %dma_start3A = arith.constant 0 : i32
      %dma_start3A_26 = arith.constant 55296 : i32
      %dma_start3A_27 = tpu.memref_slice %arg5[%dma_start3A, %dma_start3A_26] : memref<1x73728xf32, #tpu.memory_space<vmem>> -> memref<1x18432xf32, #tpu.memory_space<vmem>>
      %dma_start3A_28 = arith.constant 0 : i32
      %dma_start3A_29 = tpu.memref_slice %arg2[%add3A_10, %dma_start3A_28] : memref<128x18432xf32, #tpu.memory_space<hbm>> -> memref<1x18432xf32, #tpu.memory_space<hbm>>
      %dma_start3A_30 = arith.constant 0 : i32
      %dma_start3A_31 = arith.constant 55296 : i32
      %dma_start3A_32 = tpu.memref_slice %arg5[%dma_start3A_30, %dma_start3A_31] : memref<1x73728xf32, #tpu.memory_space<vmem>> -> memref<1x18432xf32, #tpu.memory_space<vmem>>
      %dma_start3A_33 = arith.constant 0 : i32
      %dma_start3A_34 = tpu.memref_slice %arg2[%add3A_10, %dma_start3A_33] : memref<128x18432xf32, #tpu.memory_space<hbm>> -> memref<1x18432xf32, #tpu.memory_space<hbm>>
      tpu.enqueue_dma source(%dma_start3A_34 : memref<1x18432xf32, #tpu.memory_space<hbm>>) target(%dma_start3A_32 : memref<1x18432xf32, #tpu.memory_space<vmem>>) target_semaphore(%run_scoped3A : memref<!tpu.dma_semaphore, #tpu.memory_space<semaphore_mem>>)
      %dma_wait3A = arith.constant 0 : i32
      %dma_wait3A_35 = arith.constant 55296 : i32
      %dma_wait3A_36 = tpu.memref_slice %arg5[%dma_wait3A, %dma_wait3A_35] : memref<1x73728xf32, #tpu.memory_space<vmem>> -> memref<1x18432xf32, #tpu.memory_space<vmem>>
      %dma_wait3A_37 = arith.constant 0 : i32
      %dma_wait3A_38 = tpu.memref_slice %arg2[%add3A_10, %dma_wait3A_37] : memref<128x18432xf32, #tpu.memory_space<hbm>> -> memref<1x18432xf32, #tpu.memory_space<hbm>>
      %dma_wait3A_39 = arith.constant 0 : i32
      %dma_wait3A_40 = arith.constant 55296 : i32
      %dma_wait3A_41 = tpu.memref_slice %arg5[%dma_wait3A_39, %dma_wait3A_40] : memref<1x73728xf32, #tpu.memory_space<vmem>> -> memref<1x18432xf32, #tpu.memory_space<vmem>>
      %dma_wait3A_42 = arith.constant 0 : i32
      %dma_wait3A_43 = tpu.memref_slice %arg2[%add3A_10, %dma_wait3A_42] : memref<128x18432xf32, #tpu.memory_space<hbm>> -> memref<1x18432xf32, #tpu.memory_space<hbm>>
      tpu.wait_dma2 semaphore(%run_scoped3A : memref<!tpu.dma_semaphore, #tpu.memory_space<semaphore_mem>>) src(%dma_wait3A_43 : memref<1x18432xf32, #tpu.memory_space<hbm>>) dst(%dma_wait3A_41 : memref<1x18432xf32, #tpu.memory_space<vmem>>)
      tpu.yield
    }) : () -> ()
    "tpu.region"() ({
      %run_scoped3A = tpu.sem_alloc : memref<!tpu.dma_semaphore, #tpu.memory_space<semaphore_mem>>
      %dma_start3A = arith.constant 0 : i32
      %dma_start3A_26 = arith.constant 0 : i32
      %dma_start3A_27 = tpu.memref_slice %arg3[%add3A, %dma_start3A, %dma_start3A_26] : memref<32x256x16xi32, #tpu.memory_space<hbm>> -> memref<1x256x16xi32, #tpu.memory_space<hbm>>
      %dma_start3A_28 = tpu.memref_squeeze %dma_start3A_27 : memref<1x256x16xi32, #tpu.memory_space<hbm>> -> memref<256x16xi32, #tpu.memory_space<hbm>>
      %dma_start3A_29 = arith.constant 0 : i32
      %dma_start3A_30 = arith.constant 0 : i32
      %dma_start3A_31 = tpu.memref_slice %arg3[%add3A, %dma_start3A_29, %dma_start3A_30] : memref<32x256x16xi32, #tpu.memory_space<hbm>> -> memref<1x256x16xi32, #tpu.memory_space<hbm>>
      %dma_start3A_32 = tpu.memref_squeeze %dma_start3A_31 : memref<1x256x16xi32, #tpu.memory_space<hbm>> -> memref<256x16xi32, #tpu.memory_space<hbm>>
      tpu.enqueue_dma source(%dma_start3A_32 : memref<256x16xi32, #tpu.memory_space<hbm>>) target(%arg6 : memref<256x16xi32, #tpu.memory_space<vmem>>) target_semaphore(%run_scoped3A : memref<!tpu.dma_semaphore, #tpu.memory_space<semaphore_mem>>)
      %dma_wait3A = arith.constant 0 : i32
      %dma_wait3A_33 = arith.constant 0 : i32
      %dma_wait3A_34 = tpu.memref_slice %arg3[%add3A, %dma_wait3A, %dma_wait3A_33] : memref<32x256x16xi32, #tpu.memory_space<hbm>> -> memref<1x256x16xi32, #tpu.memory_space<hbm>>
      %dma_wait3A_35 = tpu.memref_squeeze %dma_wait3A_34 : memref<1x256x16xi32, #tpu.memory_space<hbm>> -> memref<256x16xi32, #tpu.memory_space<hbm>>
      %dma_wait3A_36 = arith.constant 0 : i32
      %dma_wait3A_37 = arith.constant 0 : i32
      %dma_wait3A_38 = tpu.memref_slice %arg3[%add3A, %dma_wait3A_36, %dma_wait3A_37] : memref<32x256x16xi32, #tpu.memory_space<hbm>> -> memref<1x256x16xi32, #tpu.memory_space<hbm>>
      %dma_wait3A_39 = tpu.memref_squeeze %dma_wait3A_38 : memref<1x256x16xi32, #tpu.memory_space<hbm>> -> memref<256x16xi32, #tpu.memory_space<hbm>>
      tpu.wait_dma2 semaphore(%run_scoped3A : memref<!tpu.dma_semaphore, #tpu.memory_space<semaphore_mem>>) src(%dma_wait3A_39 : memref<256x16xi32, #tpu.memory_space<hbm>>) dst(%arg6 : memref<256x16xi32, #tpu.memory_space<vmem>>)
      tpu.yield
    }) : () -> ()
    %scan3A = arith.constant 0 : i32
    %scan3A_11 = arith.constant 0 : i32
    %scan3A_12 = arith.constant 256 : i32
    %scan3A_13 = arith.addi %scan3A_11, %scan3A_12 : i32
    %scan3A_14 = arith.constant 1 : i32
    %scan3A_15 = scf.for %scan3A_26 = %scan3A_11 to %scan3A_13 step %scan3A_14 iter_args(%scan3A_27 = %scan3A) -> (i32)  : i32 {
      %get3A = arith.index_cast %scan3A_26 : i32 to index
      %get3A_28 = arith.constant 0 : index
      %get3A_29 = tpu.vector_load %arg6[%get3A, %get3A_28] {strides = array<i32>} : memref<256x16xi32, #tpu.memory_space<vmem>>, vector<1x16xi32>,
      %get3A_30 = vector.shape_cast %get3A_29 : vector<1x16xi32> to vector<16xi32>
      %slice3A = vector.extract_strided_slice %get3A_30 {offsets = [8], sizes = [1], strides = [1]} : vector<16xi32> to vector<1xi32>
      %squeeze3A = vector.extract %slice3A[0] : i32 from vector<1xi32>
      %gt3A = arith.constant 0 : i32
      %gt3A_31 = arith.cmpi sgt, %squeeze3A, %gt3A : i32
      %convert_element_type3A = arith.extui %gt3A_31 : i1 to i32
      %cond3A = arith.constant 0 : i32
      %cond3A_32 = arith.cmpi ne, %convert_element_type3A, %cond3A : i32
      scf.if %cond3A_32 {
        %slice3A_41 = vector.extract_strided_slice %get3A_30 {offsets = [0], sizes = [1], strides = [1]} : vector<16xi32> to vector<1xi32>
        %squeeze3A_42 = vector.extract %slice3A_41[0] : i32 from vector<1xi32>
        %shift_right_arithmetic3A = arith.constant 0 : i32
        %shift_right_arithmetic3A_43 = arith.shrsi %squeeze3A_42, %shift_right_arithmetic3A : i32
        %and3A = arith.constant 65535 : i32
        %and3A_44 = arith.andi %shift_right_arithmetic3A_43, %and3A : i32
        %ge3A_45 = arith.cmpi sge, %and3A_44, %mul3A_2 : i32
        %add3A_46 = arith.constant 4 : i32
        %add3A_47 = arith.addi %mul3A_2, %add3A_46 : i32
        %lt3A = arith.cmpi slt, %and3A_44, %add3A_47 : i32
        %and3A_48 = arith.andi %ge3A_45, %lt3A : i1
        %convert_element_type3A_49 = arith.extui %and3A_48 : i1 to i32
        %cond3A_50 = arith.constant 0 : i32
        %cond3A_51 = arith.cmpi ne, %convert_element_type3A_49, %cond3A_50 : i32
        scf.if %cond3A_51 {
          %sub3A_262 = arith.subi %and3A_44, %mul3A_2 : i32
          %mul3A_263 = arith.constant 18432 : i32
          %mul3A_264 = arith.muli %sub3A_262, %mul3A_263 : i32
          %mul3A_265 = arith.constant 16 : i32
          %mul3A_266 = arith.muli %scan3A_26, %mul3A_265 : i32
          %add3A_267 = arith.constant 0 : i32
          %add3A_268 = arith.addi %mul3A_266, %add3A_267 : i32
          %dma_start3A = arith.constant 0 : i32
          %dma_start3A_269 = tpu.memref_slice %arg5[%dma_start3A, %mul3A_264] : memref<1x73728xf32, #tpu.memory_space<vmem>> -> memref<1x18432xf32, #tpu.memory_space<vmem>>
          %dma_start3A_270 = arith.constant 0 : i32
          %dma_start3A_271 = tpu.memref_slice %arg4[%add3A_268, %dma_start3A_270] : memref<4096x18432xf32, #tpu.memory_space<hbm>> -> memref<1x18432xf32, #tpu.memory_space<hbm>>
          %dma_start3A_272 = arith.constant 0 : i32
          %dma_start3A_273 = tpu.memref_slice %arg4[%add3A_268, %dma_start3A_272] : memref<4096x18432xf32, #tpu.memory_space<hbm>> -> memref<1x18432xf32, #tpu.memory_space<hbm>>
          %dma_start3A_274 = arith.constant 0 : i32
          %dma_start3A_275 = tpu.memref_slice %arg5[%dma_start3A_274, %mul3A_264] : memref<1x73728xf32, #tpu.memory_space<vmem>> -> memref<1x18432xf32, #tpu.memory_space<vmem>>
          tpu.enqueue_dma source(%dma_start3A_275 : memref<1x18432xf32, #tpu.memory_space<vmem>>) target(%dma_start3A_273 : memref<1x18432xf32, #tpu.memory_space<hbm>>) target_semaphore(%arg7 : memref<!tpu.dma_semaphore, #tpu.memory_space<semaphore_mem>>)
        } else {
        }
        %slice3A_52 = vector.extract_strided_slice %get3A_30 {offsets = [0], sizes = [1], strides = [1]} : vector<16xi32> to vector<1xi32>
        %squeeze3A_53 = vector.extract %slice3A_52[0] : i32 from vector<1xi32>
        %shift_right_arithmetic3A_54 = arith.constant 16 : i32
        %shift_right_arithmetic3A_55 = arith.shrsi %squeeze3A_53, %shift_right_arithmetic3A_54 : i32
        %and3A_56 = arith.constant 65535 : i32
        %and3A_57 = arith.andi %shift_right_arithmetic3A_55, %and3A_56 : i32
        %ge3A_58 = arith.cmpi sge, %and3A_57, %mul3A_2 : i32
        %add3A_59 = arith.constant 4 : i32
        %add3A_60 = arith.addi %mul3A_2, %add3A_59 : i32
        %lt3A_61 = arith.cmpi slt, %and3A_57, %add3A_60 : i32
        %and3A_62 = arith.andi %ge3A_58, %lt3A_61 : i1
        %convert_element_type3A_63 = arith.extui %and3A_62 : i1 to i32
        %cond3A_64 = arith.constant 0 : i32
        %cond3A_65 = arith.cmpi ne, %convert_element_type3A_63, %cond3A_64 : i32
        scf.if %cond3A_65 {
          %sub3A_262 = arith.subi %and3A_57, %mul3A_2 : i32
          %mul3A_263 = arith.constant 18432 : i32
          %mul3A_264 = arith.muli %sub3A_262, %mul3A_263 : i32
          %mul3A_265 = arith.constant 16 : i32
          %mul3A_266 = arith.muli %scan3A_26, %mul3A_265 : i32
          %add3A_267 = arith.constant 1 : i32
          %add3A_268 = arith.addi %mul3A_266, %add3A_267 : i32
          %dma_start3A = arith.constant 0 : i32
          %dma_start3A_269 = tpu.memref_slice %arg5[%dma_start3A, %mul3A_264] : memref<1x73728xf32, #tpu.memory_space<vmem>> -> memref<1x18432xf32, #tpu.memory_space<vmem>>
          %dma_start3A_270 = arith.constant 0 : i32
          %dma_start3A_271 = tpu.memref_slice %arg4[%add3A_268, %dma_start3A_270] : memref<4096x18432xf32, #tpu.memory_space<hbm>> -> memref<1x18432xf32, #tpu.memory_space<hbm>>
          %dma_start3A_272 = arith.constant 0 : i32
          %dma_start3A_273 = tpu.memref_slice %arg4[%add3A_268, %dma_start3A_272] : memref<4096x18432xf32, #tpu.memory_space<hbm>> -> memref<1x18432xf32, #tpu.memory_space<hbm>>
          %dma_start3A_274 = arith.constant 0 : i32
          %dma_start3A_275 = tpu.memref_slice %arg5[%dma_start3A_274, %mul3A_264] : memref<1x73728xf32, #tpu.memory_space<vmem>> -> memref<1x18432xf32, #tpu.memory_space<vmem>>
          tpu.enqueue_dma source(%dma_start3A_275 : memref<1x18432xf32, #tpu.memory_space<vmem>>) target(%dma_start3A_273 : memref<1x18432xf32, #tpu.memory_space<hbm>>) target_semaphore(%arg7 : memref<!tpu.dma_semaphore, #tpu.memory_space<semaphore_mem>>)
        } else {
        }
        %slice3A_66 = vector.extract_strided_slice %get3A_30 {offsets = [1], sizes = [1], strides = [1]} : vector<16xi32> to vector<1xi32>
        %squeeze3A_67 = vector.extract %slice3A_66[0] : i32 from vector<1xi32>
        %shift_right_arithmetic3A_68 = arith.constant 0 : i32
        %shift_right_arithmetic3A_69 = arith.shrsi %squeeze3A_67, %shift_right_arithmetic3A_68 : i32
        %and3A_70 = arith.constant 65535 : i32
        %and3A_71 = arith.andi %shift_right_arithmetic3A_69, %and3A_70 : i32
        %ge3A_72 = arith.cmpi sge, %and3A_71, %mul3A_2 : i32
        %add3A_73 = arith.constant 4 : i32
        %add3A_74 = arith.addi %mul3A_2, %add3A_73 : i32
        %lt3A_75 = arith.cmpi slt, %and3A_71, %add3A_74 : i32
        %and3A_76 = arith.andi %ge3A_72, %lt3A_75 : i1
        %convert_element_type3A_77 = arith.extui %and3A_76 : i1 to i32
        %cond3A_78 = arith.constant 0 : i32
        %cond3A_79 = arith.cmpi ne, %convert_element_type3A_77, %cond3A_78 : i32
        scf.if %cond3A_79 {
          %sub3A_262 = arith.subi %and3A_71, %mul3A_2 : i32
          %mul3A_263 = arith.constant 18432 : i32
          %mul3A_264 = arith.muli %sub3A_262, %mul3A_263 : i32
          %mul3A_265 = arith.constant 16 : i32
          %mul3A_266 = arith.muli %scan3A_26, %mul3A_265 : i32
          %add3A_267 = arith.constant 2 : i32
          %add3A_268 = arith.addi %mul3A_266, %add3A_267 : i32
          %dma_start3A = arith.constant 0 : i32
          %dma_start3A_269 = tpu.memref_slice %arg5[%dma_start3A, %mul3A_264] : memref<1x73728xf32, #tpu.memory_space<vmem>> -> memref<1x18432xf32, #tpu.memory_space<vmem>>
          %dma_start3A_270 = arith.constant 0 : i32
          %dma_start3A_271 = tpu.memref_slice %arg4[%add3A_268, %dma_start3A_270] : memref<4096x18432xf32, #tpu.memory_space<hbm>> -> memref<1x18432xf32, #tpu.memory_space<hbm>>
          %dma_start3A_272 = arith.constant 0 : i32
          %dma_start3A_273 = tpu.memref_slice %arg4[%add3A_268, %dma_start3A_272] : memref<4096x18432xf32, #tpu.memory_space<hbm>> -> memref<1x18432xf32, #tpu.memory_space<hbm>>
          %dma_start3A_274 = arith.constant 0 : i32
          %dma_start3A_275 = tpu.memref_slice %arg5[%dma_start3A_274, %mul3A_264] : memref<1x73728xf32, #tpu.memory_space<vmem>> -> memref<1x18432xf32, #tpu.memory_space<vmem>>
          tpu.enqueue_dma source(%dma_start3A_275 : memref<1x18432xf32, #tpu.memory_space<vmem>>) target(%dma_start3A_273 : memref<1x18432xf32, #tpu.memory_space<hbm>>) target_semaphore(%arg7 : memref<!tpu.dma_semaphore, #tpu.memory_space<semaphore_mem>>)
        } else {
        }
        %slice3A_80 = vector.extract_strided_slice %get3A_30 {offsets = [1], sizes = [1], strides = [1]} : vector<16xi32> to vector<1xi32>
        %squeeze3A_81 = vector.extract %slice3A_80[0] : i32 from vector<1xi32>
        %shift_right_arithmetic3A_82 = arith.constant 16 : i32
        %shift_right_arithmetic3A_83 = arith.shrsi %squeeze3A_81, %shift_right_arithmetic3A_82 : i32
        %and3A_84 = arith.constant 65535 : i32
        %and3A_85 = arith.andi %shift_right_arithmetic3A_83, %and3A_84 : i32
        %ge3A_86 = arith.cmpi sge, %and3A_85, %mul3A_2 : i32
        %add3A_87 = arith.constant 4 : i32
        %add3A_88 = arith.addi %mul3A_2, %add3A_87 : i32
        %lt3A_89 = arith.cmpi slt, %and3A_85, %add3A_88 : i32
        %and3A_90 = arith.andi %ge3A_86, %lt3A_89 : i1
        %convert_element_type3A_91 = arith.extui %and3A_90 : i1 to i32
        %cond3A_92 = arith.constant 0 : i32
        %cond3A_93 = arith.cmpi ne, %convert_element_type3A_91, %cond3A_92 : i32
        scf.if %cond3A_93 {
          %sub3A_262 = arith.subi %and3A_85, %mul3A_2 : i32
          %mul3A_263 = arith.constant 18432 : i32
          %mul3A_264 = arith.muli %sub3A_262, %mul3A_263 : i32
          %mul3A_265 = arith.constant 16 : i32
          %mul3A_266 = arith.muli %scan3A_26, %mul3A_265 : i32
          %add3A_267 = arith.constant 3 : i32
          %add3A_268 = arith.addi %mul3A_266, %add3A_267 : i32
          %dma_start3A = arith.constant 0 : i32
          %dma_start3A_269 = tpu.memref_slice %arg5[%dma_start3A, %mul3A_264] : memref<1x73728xf32, #tpu.memory_space<vmem>> -> memref<1x18432xf32, #tpu.memory_space<vmem>>
          %dma_start3A_270 = arith.constant 0 : i32
          %dma_start3A_271 = tpu.memref_slice %arg4[%add3A_268, %dma_start3A_270] : memref<4096x18432xf32, #tpu.memory_space<hbm>> -> memref<1x18432xf32, #tpu.memory_space<hbm>>
          %dma_start3A_272 = arith.constant 0 : i32
          %dma_start3A_273 = tpu.memref_slice %arg4[%add3A_268, %dma_start3A_272] : memref<4096x18432xf32, #tpu.memory_space<hbm>> -> memref<1x18432xf32, #tpu.memory_space<hbm>>
          %dma_start3A_274 = arith.constant 0 : i32
          %dma_start3A_275 = tpu.memref_slice %arg5[%dma_start3A_274, %mul3A_264] : memref<1x73728xf32, #tpu.memory_space<vmem>> -> memref<1x18432xf32, #tpu.memory_space<vmem>>
          tpu.enqueue_dma source(%dma_start3A_275 : memref<1x18432xf32, #tpu.memory_space<vmem>>) target(%dma_start3A_273 : memref<1x18432xf32, #tpu.memory_space<hbm>>) target_semaphore(%arg7 : memref<!tpu.dma_semaphore, #tpu.memory_space<semaphore_mem>>)
        } else {
        }
        %slice3A_94 = vector.extract_strided_slice %get3A_30 {offsets = [2], sizes = [1], strides = [1]} : vector<16xi32> to vector<1xi32>
        %squeeze3A_95 = vector.extract %slice3A_94[0] : i32 from vector<1xi32>
        %shift_right_arithmetic3A_96 = arith.constant 0 : i32
        %shift_right_arithmetic3A_97 = arith.shrsi %squeeze3A_95, %shift_right_arithmetic3A_96 : i32
        %and3A_98 = arith.constant 65535 : i32
        %and3A_99 = arith.andi %shift_right_arithmetic3A_97, %and3A_98 : i32
        %ge3A_100 = arith.cmpi sge, %and3A_99, %mul3A_2 : i32
        %add3A_101 = arith.constant 4 : i32
        %add3A_102 = arith.addi %mul3A_2, %add3A_101 : i32
        %lt3A_103 = arith.cmpi slt, %and3A_99, %add3A_102 : i32
        %and3A_104 = arith.andi %ge3A_100, %lt3A_103 : i1
        %convert_element_type3A_105 = arith.extui %and3A_104 : i1 to i32
        %cond3A_106 = arith.constant 0 : i32
        %cond3A_107 = arith.cmpi ne, %convert_element_type3A_105, %cond3A_106 : i32
        scf.if %cond3A_107 {
          %sub3A_262 = arith.subi %and3A_99, %mul3A_2 : i32
          %mul3A_263 = arith.constant 18432 : i32
          %mul3A_264 = arith.muli %sub3A_262, %mul3A_263 : i32
          %mul3A_265 = arith.constant 16 : i32
          %mul3A_266 = arith.muli %scan3A_26, %mul3A_265 : i32
          %add3A_267 = arith.constant 4 : i32
          %add3A_268 = arith.addi %mul3A_266, %add3A_267 : i32
          %dma_start3A = arith.constant 0 : i32
          %dma_start3A_269 = tpu.memref_slice %arg5[%dma_start3A, %mul3A_264] : memref<1x73728xf32, #tpu.memory_space<vmem>> -> memref<1x18432xf32, #tpu.memory_space<vmem>>
          %dma_start3A_270 = arith.constant 0 : i32
          %dma_start3A_271 = tpu.memref_slice %arg4[%add3A_268, %dma_start3A_270] : memref<4096x18432xf32, #tpu.memory_space<hbm>> -> memref<1x18432xf32, #tpu.memory_space<hbm>>
          %dma_start3A_272 = arith.constant 0 : i32
          %dma_start3A_273 = tpu.memref_slice %arg4[%add3A_268, %dma_start3A_272] : memref<4096x18432xf32, #tpu.memory_space<hbm>> -> memref<1x18432xf32, #tpu.memory_space<hbm>>
          %dma_start3A_274 = arith.constant 0 : i32
          %dma_start3A_275 = tpu.memref_slice %arg5[%dma_start3A_274, %mul3A_264] : memref<1x73728xf32, #tpu.memory_space<vmem>> -> memref<1x18432xf32, #tpu.memory_space<vmem>>
          tpu.enqueue_dma source(%dma_start3A_275 : memref<1x18432xf32, #tpu.memory_space<vmem>>) target(%dma_start3A_273 : memref<1x18432xf32, #tpu.memory_space<hbm>>) target_semaphore(%arg7 : memref<!tpu.dma_semaphore, #tpu.memory_space<semaphore_mem>>)
        } else {
        }
        %slice3A_108 = vector.extract_strided_slice %get3A_30 {offsets = [2], sizes = [1], strides = [1]} : vector<16xi32> to vector<1xi32>
        %squeeze3A_109 = vector.extract %slice3A_108[0] : i32 from vector<1xi32>
        %shift_right_arithmetic3A_110 = arith.constant 16 : i32
        %shift_right_arithmetic3A_111 = arith.shrsi %squeeze3A_109, %shift_right_arithmetic3A_110 : i32
        %and3A_112 = arith.constant 65535 : i32
        %and3A_113 = arith.andi %shift_right_arithmetic3A_111, %and3A_112 : i32
        %ge3A_114 = arith.cmpi sge, %and3A_113, %mul3A_2 : i32
        %add3A_115 = arith.constant 4 : i32
        %add3A_116 = arith.addi %mul3A_2, %add3A_115 : i32
        %lt3A_117 = arith.cmpi slt, %and3A_113, %add3A_116 : i32
        %and3A_118 = arith.andi %ge3A_114, %lt3A_117 : i1
        %convert_element_type3A_119 = arith.extui %and3A_118 : i1 to i32
        %cond3A_120 = arith.constant 0 : i32
        %cond3A_121 = arith.cmpi ne, %convert_element_type3A_119, %cond3A_120 : i32
        scf.if %cond3A_121 {
          %sub3A_262 = arith.subi %and3A_113, %mul3A_2 : i32
          %mul3A_263 = arith.constant 18432 : i32
          %mul3A_264 = arith.muli %sub3A_262, %mul3A_263 : i32
          %mul3A_265 = arith.constant 16 : i32
          %mul3A_266 = arith.muli %scan3A_26, %mul3A_265 : i32
          %add3A_267 = arith.constant 5 : i32
          %add3A_268 = arith.addi %mul3A_266, %add3A_267 : i32
          %dma_start3A = arith.constant 0 : i32
          %dma_start3A_269 = tpu.memref_slice %arg5[%dma_start3A, %mul3A_264] : memref<1x73728xf32, #tpu.memory_space<vmem>> -> memref<1x18432xf32, #tpu.memory_space<vmem>>
          %dma_start3A_270 = arith.constant 0 : i32
          %dma_start3A_271 = tpu.memref_slice %arg4[%add3A_268, %dma_start3A_270] : memref<4096x18432xf32, #tpu.memory_space<hbm>> -> memref<1x18432xf32, #tpu.memory_space<hbm>>
          %dma_start3A_272 = arith.constant 0 : i32
          %dma_start3A_273 = tpu.memref_slice %arg4[%add3A_268, %dma_start3A_272] : memref<4096x18432xf32, #tpu.memory_space<hbm>> -> memref<1x18432xf32, #tpu.memory_space<hbm>>
          %dma_start3A_274 = arith.constant 0 : i32
          %dma_start3A_275 = tpu.memref_slice %arg5[%dma_start3A_274, %mul3A_264] : memref<1x73728xf32, #tpu.memory_space<vmem>> -> memref<1x18432xf32, #tpu.memory_space<vmem>>
          tpu.enqueue_dma source(%dma_start3A_275 : memref<1x18432xf32, #tpu.memory_space<vmem>>) target(%dma_start3A_273 : memref<1x18432xf32, #tpu.memory_space<hbm>>) target_semaphore(%arg7 : memref<!tpu.dma_semaphore, #tpu.memory_space<semaphore_mem>>)
        } else {
        }
        %slice3A_122 = vector.extract_strided_slice %get3A_30 {offsets = [3], sizes = [1], strides = [1]} : vector<16xi32> to vector<1xi32>
        %squeeze3A_123 = vector.extract %slice3A_122[0] : i32 from vector<1xi32>
        %shift_right_arithmetic3A_124 = arith.constant 0 : i32
        %shift_right_arithmetic3A_125 = arith.shrsi %squeeze3A_123, %shift_right_arithmetic3A_124 : i32
        %and3A_126 = arith.constant 65535 : i32
        %and3A_127 = arith.andi %shift_right_arithmetic3A_125, %and3A_126 : i32
        %ge3A_128 = arith.cmpi sge, %and3A_127, %mul3A_2 : i32
        %add3A_129 = arith.constant 4 : i32
        %add3A_130 = arith.addi %mul3A_2, %add3A_129 : i32
        %lt3A_131 = arith.cmpi slt, %and3A_127, %add3A_130 : i32
        %and3A_132 = arith.andi %ge3A_128, %lt3A_131 : i1
        %convert_element_type3A_133 = arith.extui %and3A_132 : i1 to i32
        %cond3A_134 = arith.constant 0 : i32
        %cond3A_135 = arith.cmpi ne, %convert_element_type3A_133, %cond3A_134 : i32
        scf.if %cond3A_135 {
          %sub3A_262 = arith.subi %and3A_127, %mul3A_2 : i32
          %mul3A_263 = arith.constant 18432 : i32
          %mul3A_264 = arith.muli %sub3A_262, %mul3A_263 : i32
          %mul3A_265 = arith.constant 16 : i32
          %mul3A_266 = arith.muli %scan3A_26, %mul3A_265 : i32
          %add3A_267 = arith.constant 6 : i32
          %add3A_268 = arith.addi %mul3A_266, %add3A_267 : i32
          %dma_start3A = arith.constant 0 : i32
          %dma_start3A_269 = tpu.memref_slice %arg5[%dma_start3A, %mul3A_264] : memref<1x73728xf32, #tpu.memory_space<vmem>> -> memref<1x18432xf32, #tpu.memory_space<vmem>>
          %dma_start3A_270 = arith.constant 0 : i32
          %dma_start3A_271 = tpu.memref_slice %arg4[%add3A_268, %dma_start3A_270] : memref<4096x18432xf32, #tpu.memory_space<hbm>> -> memref<1x18432xf32, #tpu.memory_space<hbm>>
          %dma_start3A_272 = arith.constant 0 : i32
          %dma_start3A_273 = tpu.memref_slice %arg4[%add3A_268, %dma_start3A_272] : memref<4096x18432xf32, #tpu.memory_space<hbm>> -> memref<1x18432xf32, #tpu.memory_space<hbm>>
          %dma_start3A_274 = arith.constant 0 : i32
          %dma_start3A_275 = tpu.memref_slice %arg5[%dma_start3A_274, %mul3A_264] : memref<1x73728xf32, #tpu.memory_space<vmem>> -> memref<1x18432xf32, #tpu.memory_space<vmem>>
          tpu.enqueue_dma source(%dma_start3A_275 : memref<1x18432xf32, #tpu.memory_space<vmem>>) target(%dma_start3A_273 : memref<1x18432xf32, #tpu.memory_space<hbm>>) target_semaphore(%arg7 : memref<!tpu.dma_semaphore, #tpu.memory_space<semaphore_mem>>)
        } else {
        }
        %slice3A_136 = vector.extract_strided_slice %get3A_30 {offsets = [3], sizes = [1], strides = [1]} : vector<16xi32> to vector<1xi32>
        %squeeze3A_137 = vector.extract %slice3A_136[0] : i32 from vector<1xi32>
        %shift_right_arithmetic3A_138 = arith.constant 16 : i32
        %shift_right_arithmetic3A_139 = arith.shrsi %squeeze3A_137, %shift_right_arithmetic3A_138 : i32
        %and3A_140 = arith.constant 65535 : i32
        %and3A_141 = arith.andi %shift_right_arithmetic3A_139, %and3A_140 : i32
        %ge3A_142 = arith.cmpi sge, %and3A_141, %mul3A_2 : i32
        %add3A_143 = arith.constant 4 : i32
        %add3A_144 = arith.addi %mul3A_2, %add3A_143 : i32
        %lt3A_145 = arith.cmpi slt, %and3A_141, %add3A_144 : i32
        %and3A_146 = arith.andi %ge3A_142, %lt3A_145 : i1
        %convert_element_type3A_147 = arith.extui %and3A_146 : i1 to i32
        %cond3A_148 = arith.constant 0 : i32
        %cond3A_149 = arith.cmpi ne, %convert_element_type3A_147, %cond3A_148 : i32
        scf.if %cond3A_149 {
          %sub3A_262 = arith.subi %and3A_141, %mul3A_2 : i32
          %mul3A_263 = arith.constant 18432 : i32
          %mul3A_264 = arith.muli %sub3A_262, %mul3A_263 : i32
          %mul3A_265 = arith.constant 16 : i32
          %mul3A_266 = arith.muli %scan3A_26, %mul3A_265 : i32
          %add3A_267 = arith.constant 7 : i32
          %add3A_268 = arith.addi %mul3A_266, %add3A_267 : i32
          %dma_start3A = arith.constant 0 : i32
          %dma_start3A_269 = tpu.memref_slice %arg5[%dma_start3A, %mul3A_264] : memref<1x73728xf32, #tpu.memory_space<vmem>> -> memref<1x18432xf32, #tpu.memory_space<vmem>>
          %dma_start3A_270 = arith.constant 0 : i32
          %dma_start3A_271 = tpu.memref_slice %arg4[%add3A_268, %dma_start3A_270] : memref<4096x18432xf32, #tpu.memory_space<hbm>> -> memref<1x18432xf32, #tpu.memory_space<hbm>>
          %dma_start3A_272 = arith.constant 0 : i32
          %dma_start3A_273 = tpu.memref_slice %arg4[%add3A_268, %dma_start3A_272] : memref<4096x18432xf32, #tpu.memory_space<hbm>> -> memref<1x18432xf32, #tpu.memory_space<hbm>>
          %dma_start3A_274 = arith.constant 0 : i32
          %dma_start3A_275 = tpu.memref_slice %arg5[%dma_start3A_274, %mul3A_264] : memref<1x73728xf32, #tpu.memory_space<vmem>> -> memref<1x18432xf32, #tpu.memory_space<vmem>>
          tpu.enqueue_dma source(%dma_start3A_275 : memref<1x18432xf32, #tpu.memory_space<vmem>>) target(%dma_start3A_273 : memref<1x18432xf32, #tpu.memory_space<hbm>>) target_semaphore(%arg7 : memref<!tpu.dma_semaphore, #tpu.memory_space<semaphore_mem>>)
        } else {
        }
        %slice3A_150 = vector.extract_strided_slice %get3A_30 {offsets = [4], sizes = [1], strides = [1]} : vector<16xi32> to vector<1xi32>
        %squeeze3A_151 = vector.extract %slice3A_150[0] : i32 from vector<1xi32>
        %shift_right_arithmetic3A_152 = arith.constant 0 : i32
        %shift_right_arithmetic3A_153 = arith.shrsi %squeeze3A_151, %shift_right_arithmetic3A_152 : i32
        %and3A_154 = arith.constant 65535 : i32
        %and3A_155 = arith.andi %shift_right_arithmetic3A_153, %and3A_154 : i32
        %ge3A_156 = arith.cmpi sge, %and3A_155, %mul3A_2 : i32
        %add3A_157 = arith.constant 4 : i32
        %add3A_158 = arith.addi %mul3A_2, %add3A_157 : i32
        %lt3A_159 = arith.cmpi slt, %and3A_155, %add3A_158 : i32
        %and3A_160 = arith.andi %ge3A_156, %lt3A_159 : i1
        %convert_element_type3A_161 = arith.extui %and3A_160 : i1 to i32
        %cond3A_162 = arith.constant 0 : i32
        %cond3A_163 = arith.cmpi ne, %convert_element_type3A_161, %cond3A_162 : i32
        scf.if %cond3A_163 {
          %sub3A_262 = arith.subi %and3A_155, %mul3A_2 : i32
          %mul3A_263 = arith.constant 18432 : i32
          %mul3A_264 = arith.muli %sub3A_262, %mul3A_263 : i32
          %mul3A_265 = arith.constant 16 : i32
          %mul3A_266 = arith.muli %scan3A_26, %mul3A_265 : i32
          %add3A_267 = arith.constant 8 : i32
          %add3A_268 = arith.addi %mul3A_266, %add3A_267 : i32
          %dma_start3A = arith.constant 0 : i32
          %dma_start3A_269 = tpu.memref_slice %arg5[%dma_start3A, %mul3A_264] : memref<1x73728xf32, #tpu.memory_space<vmem>> -> memref<1x18432xf32, #tpu.memory_space<vmem>>
          %dma_start3A_270 = arith.constant 0 : i32
          %dma_start3A_271 = tpu.memref_slice %arg4[%add3A_268, %dma_start3A_270] : memref<4096x18432xf32, #tpu.memory_space<hbm>> -> memref<1x18432xf32, #tpu.memory_space<hbm>>
          %dma_start3A_272 = arith.constant 0 : i32
          %dma_start3A_273 = tpu.memref_slice %arg4[%add3A_268, %dma_start3A_272] : memref<4096x18432xf32, #tpu.memory_space<hbm>> -> memref<1x18432xf32, #tpu.memory_space<hbm>>
          %dma_start3A_274 = arith.constant 0 : i32
          %dma_start3A_275 = tpu.memref_slice %arg5[%dma_start3A_274, %mul3A_264] : memref<1x73728xf32, #tpu.memory_space<vmem>> -> memref<1x18432xf32, #tpu.memory_space<vmem>>
          tpu.enqueue_dma source(%dma_start3A_275 : memref<1x18432xf32, #tpu.memory_space<vmem>>) target(%dma_start3A_273 : memref<1x18432xf32, #tpu.memory_space<hbm>>) target_semaphore(%arg7 : memref<!tpu.dma_semaphore, #tpu.memory_space<semaphore_mem>>)
        } else {
        }
        %slice3A_164 = vector.extract_strided_slice %get3A_30 {offsets = [4], sizes = [1], strides = [1]} : vector<16xi32> to vector<1xi32>
        %squeeze3A_165 = vector.extract %slice3A_164[0] : i32 from vector<1xi32>
        %shift_right_arithmetic3A_166 = arith.constant 16 : i32
        %shift_right_arithmetic3A_167 = arith.shrsi %squeeze3A_165, %shift_right_arithmetic3A_166 : i32
        %and3A_168 = arith.constant 65535 : i32
        %and3A_169 = arith.andi %shift_right_arithmetic3A_167, %and3A_168 : i32
        %ge3A_170 = arith.cmpi sge, %and3A_169, %mul3A_2 : i32
        %add3A_171 = arith.constant 4 : i32
        %add3A_172 = arith.addi %mul3A_2, %add3A_171 : i32
        %lt3A_173 = arith.cmpi slt, %and3A_169, %add3A_172 : i32
        %and3A_174 = arith.andi %ge3A_170, %lt3A_173 : i1
        %convert_element_type3A_175 = arith.extui %and3A_174 : i1 to i32
        %cond3A_176 = arith.constant 0 : i32
        %cond3A_177 = arith.cmpi ne, %convert_element_type3A_175, %cond3A_176 : i32
        scf.if %cond3A_177 {
          %sub3A_262 = arith.subi %and3A_169, %mul3A_2 : i32
          %mul3A_263 = arith.constant 18432 : i32
          %mul3A_264 = arith.muli %sub3A_262, %mul3A_263 : i32
          %mul3A_265 = arith.constant 16 : i32
          %mul3A_266 = arith.muli %scan3A_26, %mul3A_265 : i32
          %add3A_267 = arith.constant 9 : i32
          %add3A_268 = arith.addi %mul3A_266, %add3A_267 : i32
          %dma_start3A = arith.constant 0 : i32
          %dma_start3A_269 = tpu.memref_slice %arg5[%dma_start3A, %mul3A_264] : memref<1x73728xf32, #tpu.memory_space<vmem>> -> memref<1x18432xf32, #tpu.memory_space<vmem>>
          %dma_start3A_270 = arith.constant 0 : i32
          %dma_start3A_271 = tpu.memref_slice %arg4[%add3A_268, %dma_start3A_270] : memref<4096x18432xf32, #tpu.memory_space<hbm>> -> memref<1x18432xf32, #tpu.memory_space<hbm>>
          %dma_start3A_272 = arith.constant 0 : i32
          %dma_start3A_273 = tpu.memref_slice %arg4[%add3A_268, %dma_start3A_272] : memref<4096x18432xf32, #tpu.memory_space<hbm>> -> memref<1x18432xf32, #tpu.memory_space<hbm>>
          %dma_start3A_274 = arith.constant 0 : i32
          %dma_start3A_275 = tpu.memref_slice %arg5[%dma_start3A_274, %mul3A_264] : memref<1x73728xf32, #tpu.memory_space<vmem>> -> memref<1x18432xf32, #tpu.memory_space<vmem>>
          tpu.enqueue_dma source(%dma_start3A_275 : memref<1x18432xf32, #tpu.memory_space<vmem>>) target(%dma_start3A_273 : memref<1x18432xf32, #tpu.memory_space<hbm>>) target_semaphore(%arg7 : memref<!tpu.dma_semaphore, #tpu.memory_space<semaphore_mem>>)
        } else {
        }
        %slice3A_178 = vector.extract_strided_slice %get3A_30 {offsets = [5], sizes = [1], strides = [1]} : vector<16xi32> to vector<1xi32>
        %squeeze3A_179 = vector.extract %slice3A_178[0] : i32 from vector<1xi32>
        %shift_right_arithmetic3A_180 = arith.constant 0 : i32
        %shift_right_arithmetic3A_181 = arith.shrsi %squeeze3A_179, %shift_right_arithmetic3A_180 : i32
        %and3A_182 = arith.constant 65535 : i32
        %and3A_183 = arith.andi %shift_right_arithmetic3A_181, %and3A_182 : i32
        %ge3A_184 = arith.cmpi sge, %and3A_183, %mul3A_2 : i32
        %add3A_185 = arith.constant 4 : i32
        %add3A_186 = arith.addi %mul3A_2, %add3A_185 : i32
        %lt3A_187 = arith.cmpi slt, %and3A_183, %add3A_186 : i32
        %and3A_188 = arith.andi %ge3A_184, %lt3A_187 : i1
        %convert_element_type3A_189 = arith.extui %and3A_188 : i1 to i32
        %cond3A_190 = arith.constant 0 : i32
        %cond3A_191 = arith.cmpi ne, %convert_element_type3A_189, %cond3A_190 : i32
        scf.if %cond3A_191 {
          %sub3A_262 = arith.subi %and3A_183, %mul3A_2 : i32
          %mul3A_263 = arith.constant 18432 : i32
          %mul3A_264 = arith.muli %sub3A_262, %mul3A_263 : i32
          %mul3A_265 = arith.constant 16 : i32
          %mul3A_266 = arith.muli %scan3A_26, %mul3A_265 : i32
          %add3A_267 = arith.constant 10 : i32
          %add3A_268 = arith.addi %mul3A_266, %add3A_267 : i32
          %dma_start3A = arith.constant 0 : i32
          %dma_start3A_269 = tpu.memref_slice %arg5[%dma_start3A, %mul3A_264] : memref<1x73728xf32, #tpu.memory_space<vmem>> -> memref<1x18432xf32, #tpu.memory_space<vmem>>
          %dma_start3A_270 = arith.constant 0 : i32
          %dma_start3A_271 = tpu.memref_slice %arg4[%add3A_268, %dma_start3A_270] : memref<4096x18432xf32, #tpu.memory_space<hbm>> -> memref<1x18432xf32, #tpu.memory_space<hbm>>
          %dma_start3A_272 = arith.constant 0 : i32
          %dma_start3A_273 = tpu.memref_slice %arg4[%add3A_268, %dma_start3A_272] : memref<4096x18432xf32, #tpu.memory_space<hbm>> -> memref<1x18432xf32, #tpu.memory_space<hbm>>
          %dma_start3A_274 = arith.constant 0 : i32
          %dma_start3A_275 = tpu.memref_slice %arg5[%dma_start3A_274, %mul3A_264] : memref<1x73728xf32, #tpu.memory_space<vmem>> -> memref<1x18432xf32, #tpu.memory_space<vmem>>
          tpu.enqueue_dma source(%dma_start3A_275 : memref<1x18432xf32, #tpu.memory_space<vmem>>) target(%dma_start3A_273 : memref<1x18432xf32, #tpu.memory_space<hbm>>) target_semaphore(%arg7 : memref<!tpu.dma_semaphore, #tpu.memory_space<semaphore_mem>>)
        } else {
        }
        %slice3A_192 = vector.extract_strided_slice %get3A_30 {offsets = [5], sizes = [1], strides = [1]} : vector<16xi32> to vector<1xi32>
        %squeeze3A_193 = vector.extract %slice3A_192[0] : i32 from vector<1xi32>
        %shift_right_arithmetic3A_194 = arith.constant 16 : i32
        %shift_right_arithmetic3A_195 = arith.shrsi %squeeze3A_193, %shift_right_arithmetic3A_194 : i32
        %and3A_196 = arith.constant 65535 : i32
        %and3A_197 = arith.andi %shift_right_arithmetic3A_195, %and3A_196 : i32
        %ge3A_198 = arith.cmpi sge, %and3A_197, %mul3A_2 : i32
        %add3A_199 = arith.constant 4 : i32
        %add3A_200 = arith.addi %mul3A_2, %add3A_199 : i32
        %lt3A_201 = arith.cmpi slt, %and3A_197, %add3A_200 : i32
        %and3A_202 = arith.andi %ge3A_198, %lt3A_201 : i1
        %convert_element_type3A_203 = arith.extui %and3A_202 : i1 to i32
        %cond3A_204 = arith.constant 0 : i32
        %cond3A_205 = arith.cmpi ne, %convert_element_type3A_203, %cond3A_204 : i32
        scf.if %cond3A_205 {
          %sub3A_262 = arith.subi %and3A_197, %mul3A_2 : i32
          %mul3A_263 = arith.constant 18432 : i32
          %mul3A_264 = arith.muli %sub3A_262, %mul3A_263 : i32
          %mul3A_265 = arith.constant 16 : i32
          %mul3A_266 = arith.muli %scan3A_26, %mul3A_265 : i32
          %add3A_267 = arith.constant 11 : i32
          %add3A_268 = arith.addi %mul3A_266, %add3A_267 : i32
          %dma_start3A = arith.constant 0 : i32
          %dma_start3A_269 = tpu.memref_slice %arg5[%dma_start3A, %mul3A_264] : memref<1x73728xf32, #tpu.memory_space<vmem>> -> memref<1x18432xf32, #tpu.memory_space<vmem>>
          %dma_start3A_270 = arith.constant 0 : i32
          %dma_start3A_271 = tpu.memref_slice %arg4[%add3A_268, %dma_start3A_270] : memref<4096x18432xf32, #tpu.memory_space<hbm>> -> memref<1x18432xf32, #tpu.memory_space<hbm>>
          %dma_start3A_272 = arith.constant 0 : i32
          %dma_start3A_273 = tpu.memref_slice %arg4[%add3A_268, %dma_start3A_272] : memref<4096x18432xf32, #tpu.memory_space<hbm>> -> memref<1x18432xf32, #tpu.memory_space<hbm>>
          %dma_start3A_274 = arith.constant 0 : i32
          %dma_start3A_275 = tpu.memref_slice %arg5[%dma_start3A_274, %mul3A_264] : memref<1x73728xf32, #tpu.memory_space<vmem>> -> memref<1x18432xf32, #tpu.memory_space<vmem>>
          tpu.enqueue_dma source(%dma_start3A_275 : memref<1x18432xf32, #tpu.memory_space<vmem>>) target(%dma_start3A_273 : memref<1x18432xf32, #tpu.memory_space<hbm>>) target_semaphore(%arg7 : memref<!tpu.dma_semaphore, #tpu.memory_space<semaphore_mem>>)
        } else {
        }
        %slice3A_206 = vector.extract_strided_slice %get3A_30 {offsets = [6], sizes = [1], strides = [1]} : vector<16xi32> to vector<1xi32>
        %squeeze3A_207 = vector.extract %slice3A_206[0] : i32 from vector<1xi32>
        %shift_right_arithmetic3A_208 = arith.constant 0 : i32
        %shift_right_arithmetic3A_209 = arith.shrsi %squeeze3A_207, %shift_right_arithmetic3A_208 : i32
        %and3A_210 = arith.constant 65535 : i32
        %and3A_211 = arith.andi %shift_right_arithmetic3A_209, %and3A_210 : i32
        %ge3A_212 = arith.cmpi sge, %and3A_211, %mul3A_2 : i32
        %add3A_213 = arith.constant 4 : i32
        %add3A_214 = arith.addi %mul3A_2, %add3A_213 : i32
        %lt3A_215 = arith.cmpi slt, %and3A_211, %add3A_214 : i32
        %and3A_216 = arith.andi %ge3A_212, %lt3A_215 : i1
        %convert_element_type3A_217 = arith.extui %and3A_216 : i1 to i32
        %cond3A_218 = arith.constant 0 : i32
        %cond3A_219 = arith.cmpi ne, %convert_element_type3A_217, %cond3A_218 : i32
        scf.if %cond3A_219 {
          %sub3A_262 = arith.subi %and3A_211, %mul3A_2 : i32
          %mul3A_263 = arith.constant 18432 : i32
          %mul3A_264 = arith.muli %sub3A_262, %mul3A_263 : i32
          %mul3A_265 = arith.constant 16 : i32
          %mul3A_266 = arith.muli %scan3A_26, %mul3A_265 : i32
          %add3A_267 = arith.constant 12 : i32
          %add3A_268 = arith.addi %mul3A_266, %add3A_267 : i32
          %dma_start3A = arith.constant 0 : i32
          %dma_start3A_269 = tpu.memref_slice %arg5[%dma_start3A, %mul3A_264] : memref<1x73728xf32, #tpu.memory_space<vmem>> -> memref<1x18432xf32, #tpu.memory_space<vmem>>
          %dma_start3A_270 = arith.constant 0 : i32
          %dma_start3A_271 = tpu.memref_slice %arg4[%add3A_268, %dma_start3A_270] : memref<4096x18432xf32, #tpu.memory_space<hbm>> -> memref<1x18432xf32, #tpu.memory_space<hbm>>
          %dma_start3A_272 = arith.constant 0 : i32
          %dma_start3A_273 = tpu.memref_slice %arg4[%add3A_268, %dma_start3A_272] : memref<4096x18432xf32, #tpu.memory_space<hbm>> -> memref<1x18432xf32, #tpu.memory_space<hbm>>
          %dma_start3A_274 = arith.constant 0 : i32
          %dma_start3A_275 = tpu.memref_slice %arg5[%dma_start3A_274, %mul3A_264] : memref<1x73728xf32, #tpu.memory_space<vmem>> -> memref<1x18432xf32, #tpu.memory_space<vmem>>
          tpu.enqueue_dma source(%dma_start3A_275 : memref<1x18432xf32, #tpu.memory_space<vmem>>) target(%dma_start3A_273 : memref<1x18432xf32, #tpu.memory_space<hbm>>) target_semaphore(%arg7 : memref<!tpu.dma_semaphore, #tpu.memory_space<semaphore_mem>>)
        } else {
        }
        %slice3A_220 = vector.extract_strided_slice %get3A_30 {offsets = [6], sizes = [1], strides = [1]} : vector<16xi32> to vector<1xi32>
        %squeeze3A_221 = vector.extract %slice3A_220[0] : i32 from vector<1xi32>
        %shift_right_arithmetic3A_222 = arith.constant 16 : i32
        %shift_right_arithmetic3A_223 = arith.shrsi %squeeze3A_221, %shift_right_arithmetic3A_222 : i32
        %and3A_224 = arith.constant 65535 : i32
        %and3A_225 = arith.andi %shift_right_arithmetic3A_223, %and3A_224 : i32
        %ge3A_226 = arith.cmpi sge, %and3A_225, %mul3A_2 : i32
        %add3A_227 = arith.constant 4 : i32
        %add3A_228 = arith.addi %mul3A_2, %add3A_227 : i32
        %lt3A_229 = arith.cmpi slt, %and3A_225, %add3A_228 : i32
        %and3A_230 = arith.andi %ge3A_226, %lt3A_229 : i1
        %convert_element_type3A_231 = arith.extui %and3A_230 : i1 to i32
        %cond3A_232 = arith.constant 0 : i32
        %cond3A_233 = arith.cmpi ne, %convert_element_type3A_231, %cond3A_232 : i32
        scf.if %cond3A_233 {
          %sub3A_262 = arith.subi %and3A_225, %mul3A_2 : i32
          %mul3A_263 = arith.constant 18432 : i32
          %mul3A_264 = arith.muli %sub3A_262, %mul3A_263 : i32
          %mul3A_265 = arith.constant 16 : i32
          %mul3A_266 = arith.muli %scan3A_26, %mul3A_265 : i32
          %add3A_267 = arith.constant 13 : i32
          %add3A_268 = arith.addi %mul3A_266, %add3A_267 : i32
          %dma_start3A = arith.constant 0 : i32
          %dma_start3A_269 = tpu.memref_slice %arg5[%dma_start3A, %mul3A_264] : memref<1x73728xf32, #tpu.memory_space<vmem>> -> memref<1x18432xf32, #tpu.memory_space<vmem>>
          %dma_start3A_270 = arith.constant 0 : i32
          %dma_start3A_271 = tpu.memref_slice %arg4[%add3A_268, %dma_start3A_270] : memref<4096x18432xf32, #tpu.memory_space<hbm>> -> memref<1x18432xf32, #tpu.memory_space<hbm>>
          %dma_start3A_272 = arith.constant 0 : i32
          %dma_start3A_273 = tpu.memref_slice %arg4[%add3A_268, %dma_start3A_272] : memref<4096x18432xf32, #tpu.memory_space<hbm>> -> memref<1x18432xf32, #tpu.memory_space<hbm>>
          %dma_start3A_274 = arith.constant 0 : i32
          %dma_start3A_275 = tpu.memref_slice %arg5[%dma_start3A_274, %mul3A_264] : memref<1x73728xf32, #tpu.memory_space<vmem>> -> memref<1x18432xf32, #tpu.memory_space<vmem>>
          tpu.enqueue_dma source(%dma_start3A_275 : memref<1x18432xf32, #tpu.memory_space<vmem>>) target(%dma_start3A_273 : memref<1x18432xf32, #tpu.memory_space<hbm>>) target_semaphore(%arg7 : memref<!tpu.dma_semaphore, #tpu.memory_space<semaphore_mem>>)
        } else {
        }
        %slice3A_234 = vector.extract_strided_slice %get3A_30 {offsets = [7], sizes = [1], strides = [1]} : vector<16xi32> to vector<1xi32>
        %squeeze3A_235 = vector.extract %slice3A_234[0] : i32 from vector<1xi32>
        %shift_right_arithmetic3A_236 = arith.constant 0 : i32
        %shift_right_arithmetic3A_237 = arith.shrsi %squeeze3A_235, %shift_right_arithmetic3A_236 : i32
        %and3A_238 = arith.constant 65535 : i32
        %and3A_239 = arith.andi %shift_right_arithmetic3A_237, %and3A_238 : i32
        %ge3A_240 = arith.cmpi sge, %and3A_239, %mul3A_2 : i32
        %add3A_241 = arith.constant 4 : i32
        %add3A_242 = arith.addi %mul3A_2, %add3A_241 : i32
        %lt3A_243 = arith.cmpi slt, %and3A_239, %add3A_242 : i32
        %and3A_244 = arith.andi %ge3A_240, %lt3A_243 : i1
        %convert_element_type3A_245 = arith.extui %and3A_244 : i1 to i32
        %cond3A_246 = arith.constant 0 : i32
        %cond3A_247 = arith.cmpi ne, %convert_element_type3A_245, %cond3A_246 : i32
        scf.if %cond3A_247 {
          %sub3A_262 = arith.subi %and3A_239, %mul3A_2 : i32
          %mul3A_263 = arith.constant 18432 : i32
          %mul3A_264 = arith.muli %sub3A_262, %mul3A_263 : i32
          %mul3A_265 = arith.constant 16 : i32
          %mul3A_266 = arith.muli %scan3A_26, %mul3A_265 : i32
          %add3A_267 = arith.constant 14 : i32
          %add3A_268 = arith.addi %mul3A_266, %add3A_267 : i32
          %dma_start3A = arith.constant 0 : i32
          %dma_start3A_269 = tpu.memref_slice %arg5[%dma_start3A, %mul3A_264] : memref<1x73728xf32, #tpu.memory_space<vmem>> -> memref<1x18432xf32, #tpu.memory_space<vmem>>
          %dma_start3A_270 = arith.constant 0 : i32
          %dma_start3A_271 = tpu.memref_slice %arg4[%add3A_268, %dma_start3A_270] : memref<4096x18432xf32, #tpu.memory_space<hbm>> -> memref<1x18432xf32, #tpu.memory_space<hbm>>
          %dma_start3A_272 = arith.constant 0 : i32
          %dma_start3A_273 = tpu.memref_slice %arg4[%add3A_268, %dma_start3A_272] : memref<4096x18432xf32, #tpu.memory_space<hbm>> -> memref<1x18432xf32, #tpu.memory_space<hbm>>
          %dma_start3A_274 = arith.constant 0 : i32
          %dma_start3A_275 = tpu.memref_slice %arg5[%dma_start3A_274, %mul3A_264] : memref<1x73728xf32, #tpu.memory_space<vmem>> -> memref<1x18432xf32, #tpu.memory_space<vmem>>
          tpu.enqueue_dma source(%dma_start3A_275 : memref<1x18432xf32, #tpu.memory_space<vmem>>) target(%dma_start3A_273 : memref<1x18432xf32, #tpu.memory_space<hbm>>) target_semaphore(%arg7 : memref<!tpu.dma_semaphore, #tpu.memory_space<semaphore_mem>>)
        } else {
        }
        %slice3A_248 = vector.extract_strided_slice %get3A_30 {offsets = [7], sizes = [1], strides = [1]} : vector<16xi32> to vector<1xi32>
        %squeeze3A_249 = vector.extract %slice3A_248[0] : i32 from vector<1xi32>
        %shift_right_arithmetic3A_250 = arith.constant 16 : i32
        %shift_right_arithmetic3A_251 = arith.shrsi %squeeze3A_249, %shift_right_arithmetic3A_250 : i32
        %and3A_252 = arith.constant 65535 : i32
        %and3A_253 = arith.andi %shift_right_arithmetic3A_251, %and3A_252 : i32
        %ge3A_254 = arith.cmpi sge, %and3A_253, %mul3A_2 : i32
        %add3A_255 = arith.constant 4 : i32
        %add3A_256 = arith.addi %mul3A_2, %add3A_255 : i32
        %lt3A_257 = arith.cmpi slt, %and3A_253, %add3A_256 : i32
        %and3A_258 = arith.andi %ge3A_254, %lt3A_257 : i1
        %convert_element_type3A_259 = arith.extui %and3A_258 : i1 to i32
        %cond3A_260 = arith.constant 0 : i32
        %cond3A_261 = arith.cmpi ne, %convert_element_type3A_259, %cond3A_260 : i32
        scf.if %cond3A_261 {
          %sub3A_262 = arith.subi %and3A_253, %mul3A_2 : i32
          %mul3A_263 = arith.constant 18432 : i32
          %mul3A_264 = arith.muli %sub3A_262, %mul3A_263 : i32
          %mul3A_265 = arith.constant 16 : i32
          %mul3A_266 = arith.muli %scan3A_26, %mul3A_265 : i32
          %add3A_267 = arith.constant 15 : i32
          %add3A_268 = arith.addi %mul3A_266, %add3A_267 : i32
          %dma_start3A = arith.constant 0 : i32
          %dma_start3A_269 = tpu.memref_slice %arg5[%dma_start3A, %mul3A_264] : memref<1x73728xf32, #tpu.memory_space<vmem>> -> memref<1x18432xf32, #tpu.memory_space<vmem>>
          %dma_start3A_270 = arith.constant 0 : i32
          %dma_start3A_271 = tpu.memref_slice %arg4[%add3A_268, %dma_start3A_270] : memref<4096x18432xf32, #tpu.memory_space<hbm>> -> memref<1x18432xf32, #tpu.memory_space<hbm>>
          %dma_start3A_272 = arith.constant 0 : i32
          %dma_start3A_273 = tpu.memref_slice %arg4[%add3A_268, %dma_start3A_272] : memref<4096x18432xf32, #tpu.memory_space<hbm>> -> memref<1x18432xf32, #tpu.memory_space<hbm>>
          %dma_start3A_274 = arith.constant 0 : i32
          %dma_start3A_275 = tpu.memref_slice %arg5[%dma_start3A_274, %mul3A_264] : memref<1x73728xf32, #tpu.memory_space<vmem>> -> memref<1x18432xf32, #tpu.memory_space<vmem>>
          tpu.enqueue_dma source(%dma_start3A_275 : memref<1x18432xf32, #tpu.memory_space<vmem>>) target(%dma_start3A_273 : memref<1x18432xf32, #tpu.memory_space<hbm>>) target_semaphore(%arg7 : memref<!tpu.dma_semaphore, #tpu.memory_space<semaphore_mem>>)
        } else {
        }
      } else {
      }
      %add3A_33 = arith.addi %scan3A_27, %squeeze3A : i32
      %ge3A = arith.constant 32 : i32
      %ge3A_34 = arith.cmpi sge, %add3A_33, %ge3A : i32
      %convert_element_type3A_35 = arith.extui %ge3A_34 : i1 to i32
      %cond3A_36 = arith.constant 0 : i32
      %cond3A_37 = arith.cmpi ne, %convert_element_type3A_35, %cond3A_36 : i32
      scf.if %cond3A_37 {
        %dma_wait3A = arith.constant 0 : i32
        %dma_wait3A_41 = arith.constant 0 : i32
        %dma_wait3A_42 = tpu.memref_slice %arg5[%dma_wait3A, %dma_wait3A_41] : memref<1x73728xf32, #tpu.memory_space<vmem>> -> memref<1x18432xf32, #tpu.memory_space<vmem>>
        %dma_wait3A_43 = arith.constant 0 : i32
        %dma_wait3A_44 = arith.constant 0 : i32
        %dma_wait3A_45 = tpu.memref_slice %arg2[%dma_wait3A_43, %dma_wait3A_44] : memref<128x18432xf32, #tpu.memory_space<hbm>> -> memref<1x18432xf32, #tpu.memory_space<hbm>>
        %dma_wait3A_46 = arith.constant 0 : i32
        %dma_wait3A_47 = arith.constant 0 : i32
        %dma_wait3A_48 = tpu.memref_slice %arg5[%dma_wait3A_46, %dma_wait3A_47] : memref<1x73728xf32, #tpu.memory_space<vmem>> -> memref<1x18432xf32, #tpu.memory_space<vmem>>
        %dma_wait3A_49 = arith.constant 0 : i32
        %dma_wait3A_50 = arith.constant 0 : i32
        %dma_wait3A_51 = tpu.memref_slice %arg2[%dma_wait3A_49, %dma_wait3A_50] : memref<128x18432xf32, #tpu.memory_space<hbm>> -> memref<1x18432xf32, #tpu.memory_space<hbm>>
        tpu.wait_dma2 semaphore(%arg7 : memref<!tpu.dma_semaphore, #tpu.memory_space<semaphore_mem>>) src(%dma_wait3A_51 : memref<1x18432xf32, #tpu.memory_space<hbm>>) dst(%dma_wait3A_48 : memref<1x18432xf32, #tpu.memory_space<vmem>>)
        %dma_wait3A_52 = arith.constant 0 : i32
        %dma_wait3A_53 = arith.constant 0 : i32
        %dma_wait3A_54 = tpu.memref_slice %arg5[%dma_wait3A_52, %dma_wait3A_53] : memref<1x73728xf32, #tpu.memory_space<vmem>> -> memref<1x18432xf32, #tpu.memory_space<vmem>>
        %dma_wait3A_55 = arith.constant 0 : i32
        %dma_wait3A_56 = arith.constant 0 : i32
        %dma_wait3A_57 = tpu.memref_slice %arg2[%dma_wait3A_55, %dma_wait3A_56] : memref<128x18432xf32, #tpu.memory_space<hbm>> -> memref<1x18432xf32, #tpu.memory_space<hbm>>
        %dma_wait3A_58 = arith.constant 0 : i32
        %dma_wait3A_59 = arith.constant 0 : i32
        %dma_wait3A_60 = tpu.memref_slice %arg5[%dma_wait3A_58, %dma_wait3A_59] : memref<1x73728xf32, #tpu.memory_space<vmem>> -> memref<1x18432xf32, #tpu.memory_space<vmem>>
        %dma_wait3A_61 = arith.constant 0 : i32
        %dma_wait3A_62 = arith.constant 0 : i32
        %dma_wait3A_63 = tpu.memref_slice %arg2[%dma_wait3A_61, %dma_wait3A_62] : memref<128x18432xf32, #tpu.memory_space<hbm>> -> memref<1x18432xf32, #tpu.memory_space<hbm>>
        tpu.wait_dma2 semaphore(%arg7 : memref<!tpu.dma_semaphore, #tpu.memory_space<semaphore_mem>>) src(%dma_wait3A_63 : memref<1x18432xf32, #tpu.memory_space<hbm>>) dst(%dma_wait3A_60 : memref<1x18432xf32, #tpu.memory_space<vmem>>)
        %dma_wait3A_64 = arith.constant 0 : i32
        %dma_wait3A_65 = arith.constant 0 : i32
        %dma_wait3A_66 = tpu.memref_slice %arg5[%dma_wait3A_64, %dma_wait3A_65] : memref<1x73728xf32, #tpu.memory_space<vmem>> -> memref<1x18432xf32, #tpu.memory_space<vmem>>
        %dma_wait3A_67 = arith.constant 0 : i32
        %dma_wait3A_68 = arith.constant 0 : i32
        %dma_wait3A_69 = tpu.memref_slice %arg2[%dma_wait3A_67, %dma_wait3A_68] : memref<128x18432xf32, #tpu.memory_space<hbm>> -> memref<1x18432xf32, #tpu.memory_space<hbm>>
        %dma_wait3A_70 = arith.constant 0 : i32
        %dma_wait3A_71 = arith.constant 0 : i32
        %dma_wait3A_72 = tpu.memref_slice %arg5[%dma_wait3A_70, %dma_wait3A_71] : memref<1x73728xf32, #tpu.memory_space<vmem>> -> memref<1x18432xf32, #tpu.memory_space<vmem>>
        %dma_wait3A_73 = arith.constant 0 : i32
        %dma_wait3A_74 = arith.constant 0 : i32
        %dma_wait3A_75 = tpu.memref_slice %arg2[%dma_wait3A_73, %dma_wait3A_74] : memref<128x18432xf32, #tpu.memory_space<hbm>> -> memref<1x18432xf32, #tpu.memory_space<hbm>>
        tpu.wait_dma2 semaphore(%arg7 : memref<!tpu.dma_semaphore, #tpu.memory_space<semaphore_mem>>) src(%dma_wait3A_75 : memref<1x18432xf32, #tpu.memory_space<hbm>>) dst(%dma_wait3A_72 : memref<1x18432xf32, #tpu.memory_space<vmem>>)
        %dma_wait3A_76 = arith.constant 0 : i32
        %dma_wait3A_77 = arith.constant 0 : i32
        %dma_wait3A_78 = tpu.memref_slice %arg5[%dma_wait3A_76, %dma_wait3A_77] : memref<1x73728xf32, #tpu.memory_space<vmem>> -> memref<1x18432xf32, #tpu.memory_space<vmem>>
        %dma_wait3A_79 = arith.constant 0 : i32
        %dma_wait3A_80 = arith.constant 0 : i32
        %dma_wait3A_81 = tpu.memref_slice %arg2[%dma_wait3A_79, %dma_wait3A_80] : memref<128x18432xf32, #tpu.memory_space<hbm>> -> memref<1x18432xf32, #tpu.memory_space<hbm>>
        %dma_wait3A_82 = arith.constant 0 : i32
        %dma_wait3A_83 = arith.constant 0 : i32
        %dma_wait3A_84 = tpu.memref_slice %arg5[%dma_wait3A_82, %dma_wait3A_83] : memref<1x73728xf32, #tpu.memory_space<vmem>> -> memref<1x18432xf32, #tpu.memory_space<vmem>>
        %dma_wait3A_85 = arith.constant 0 : i32
        %dma_wait3A_86 = arith.constant 0 : i32
        %dma_wait3A_87 = tpu.memref_slice %arg2[%dma_wait3A_85, %dma_wait3A_86] : memref<128x18432xf32, #tpu.memory_space<hbm>> -> memref<1x18432xf32, #tpu.memory_space<hbm>>
        tpu.wait_dma2 semaphore(%arg7 : memref<!tpu.dma_semaphore, #tpu.memory_space<semaphore_mem>>) src(%dma_wait3A_87 : memref<1x18432xf32, #tpu.memory_space<hbm>>) dst(%dma_wait3A_84 : memref<1x18432xf32, #tpu.memory_space<vmem>>)
        %dma_wait3A_88 = arith.constant 0 : i32
        %dma_wait3A_89 = arith.constant 0 : i32
        %dma_wait3A_90 = tpu.memref_slice %arg5[%dma_wait3A_88, %dma_wait3A_89] : memref<1x73728xf32, #tpu.memory_space<vmem>> -> memref<1x18432xf32, #tpu.memory_space<vmem>>
        %dma_wait3A_91 = arith.constant 0 : i32
        %dma_wait3A_92 = arith.constant 0 : i32
        %dma_wait3A_93 = tpu.memref_slice %arg2[%dma_wait3A_91, %dma_wait3A_92] : memref<128x18432xf32, #tpu.memory_space<hbm>> -> memref<1x18432xf32, #tpu.memory_space<hbm>>
        %dma_wait3A_94 = arith.constant 0 : i32
        %dma_wait3A_95 = arith.constant 0 : i32
        %dma_wait3A_96 = tpu.memref_slice %arg5[%dma_wait3A_94, %dma_wait3A_95] : memref<1x73728xf32, #tpu.memory_space<vmem>> -> memref<1x18432xf32, #tpu.memory_space<vmem>>
        %dma_wait3A_97 = arith.constant 0 : i32
        %dma_wait3A_98 = arith.constant 0 : i32
        %dma_wait3A_99 = tpu.memref_slice %arg2[%dma_wait3A_97, %dma_wait3A_98] : memref<128x18432xf32, #tpu.memory_space<hbm>> -> memref<1x18432xf32, #tpu.memory_space<hbm>>
        tpu.wait_dma2 semaphore(%arg7 : memref<!tpu.dma_semaphore, #tpu.memory_space<semaphore_mem>>) src(%dma_wait3A_99 : memref<1x18432xf32, #tpu.memory_space<hbm>>) dst(%dma_wait3A_96 : memref<1x18432xf32, #tpu.memory_space<vmem>>)
        %dma_wait3A_100 = arith.constant 0 : i32
        %dma_wait3A_101 = arith.constant 0 : i32
        %dma_wait3A_102 = tpu.memref_slice %arg5[%dma_wait3A_100, %dma_wait3A_101] : memref<1x73728xf32, #tpu.memory_space<vmem>> -> memref<1x18432xf32, #tpu.memory_space<vmem>>
        %dma_wait3A_103 = arith.constant 0 : i32
        %dma_wait3A_104 = arith.constant 0 : i32
        %dma_wait3A_105 = tpu.memref_slice %arg2[%dma_wait3A_103, %dma_wait3A_104] : memref<128x18432xf32, #tpu.memory_space<hbm>> -> memref<1x18432xf32, #tpu.memory_space<hbm>>
        %dma_wait3A_106 = arith.constant 0 : i32
        %dma_wait3A_107 = arith.constant 0 : i32
        %dma_wait3A_108 = tpu.memref_slice %arg5[%dma_wait3A_106, %dma_wait3A_107] : memref<1x73728xf32, #tpu.memory_space<vmem>> -> memref<1x18432xf32, #tpu.memory_space<vmem>>
        %dma_wait3A_109 = arith.constant 0 : i32
        %dma_wait3A_110 = arith.constant 0 : i32
        %dma_wait3A_111 = tpu.memref_slice %arg2[%dma_wait3A_109, %dma_wait3A_110] : memref<128x18432xf32, #tpu.memory_space<hbm>> -> memref<1x18432xf32, #tpu.memory_space<hbm>>
        tpu.wait_dma2 semaphore(%arg7 : memref<!tpu.dma_semaphore, #tpu.memory_space<semaphore_mem>>) src(%dma_wait3A_111 : memref<1x18432xf32, #tpu.memory_space<hbm>>) dst(%dma_wait3A_108 : memref<1x18432xf32, #tpu.memory_space<vmem>>)
        %dma_wait3A_112 = arith.constant 0 : i32
        %dma_wait3A_113 = arith.constant 0 : i32
        %dma_wait3A_114 = tpu.memref_slice %arg5[%dma_wait3A_112, %dma_wait3A_113] : memref<1x73728xf32, #tpu.memory_space<vmem>> -> memref<1x18432xf32, #tpu.memory_space<vmem>>
        %dma_wait3A_115 = arith.constant 0 : i32
        %dma_wait3A_116 = arith.constant 0 : i32
        %dma_wait3A_117 = tpu.memref_slice %arg2[%dma_wait3A_115, %dma_wait3A_116] : memref<128x18432xf32, #tpu.memory_space<hbm>> -> memref<1x18432xf32, #tpu.memory_space<hbm>>
        %dma_wait3A_118 = arith.constant 0 : i32
        %dma_wait3A_119 = arith.constant 0 : i32
        %dma_wait3A_120 = tpu.memref_slice %arg5[%dma_wait3A_118, %dma_wait3A_119] : memref<1x73728xf32, #tpu.memory_space<vmem>> -> memref<1x18432xf32, #tpu.memory_space<vmem>>
        %dma_wait3A_121 = arith.constant 0 : i32
        %dma_wait3A_122 = arith.constant 0 : i32
        %dma_wait3A_123 = tpu.memref_slice %arg2[%dma_wait3A_121, %dma_wait3A_122] : memref<128x18432xf32, #tpu.memory_space<hbm>> -> memref<1x18432xf32, #tpu.memory_space<hbm>>
        tpu.wait_dma2 semaphore(%arg7 : memref<!tpu.dma_semaphore, #tpu.memory_space<semaphore_mem>>) src(%dma_wait3A_123 : memref<1x18432xf32, #tpu.memory_space<hbm>>) dst(%dma_wait3A_120 : memref<1x18432xf32, #tpu.memory_space<vmem>>)
        %dma_wait3A_124 = arith.constant 0 : i32
        %dma_wait3A_125 = arith.constant 0 : i32
        %dma_wait3A_126 = tpu.memref_slice %arg5[%dma_wait3A_124, %dma_wait3A_125] : memref<1x73728xf32, #tpu.memory_space<vmem>> -> memref<1x18432xf32, #tpu.memory_space<vmem>>
        %dma_wait3A_127 = arith.constant 0 : i32
        %dma_wait3A_128 = arith.constant 0 : i32
        %dma_wait3A_129 = tpu.memref_slice %arg2[%dma_wait3A_127, %dma_wait3A_128] : memref<128x18432xf32, #tpu.memory_space<hbm>> -> memref<1x18432xf32, #tpu.memory_space<hbm>>
        %dma_wait3A_130 = arith.constant 0 : i32
        %dma_wait3A_131 = arith.constant 0 : i32
        %dma_wait3A_132 = tpu.memref_slice %arg5[%dma_wait3A_130, %dma_wait3A_131] : memref<1x73728xf32, #tpu.memory_space<vmem>> -> memref<1x18432xf32, #tpu.memory_space<vmem>>
        %dma_wait3A_133 = arith.constant 0 : i32
        %dma_wait3A_134 = arith.constant 0 : i32
        %dma_wait3A_135 = tpu.memref_slice %arg2[%dma_wait3A_133, %dma_wait3A_134] : memref<128x18432xf32, #tpu.memory_space<hbm>> -> memref<1x18432xf32, #tpu.memory_space<hbm>>
        tpu.wait_dma2 semaphore(%arg7 : memref<!tpu.dma_semaphore, #tpu.memory_space<semaphore_mem>>) src(%dma_wait3A_135 : memref<1x18432xf32, #tpu.memory_space<hbm>>) dst(%dma_wait3A_132 : memref<1x18432xf32, #tpu.memory_space<vmem>>)
        %dma_wait3A_136 = arith.constant 0 : i32
        %dma_wait3A_137 = arith.constant 0 : i32
        %dma_wait3A_138 = tpu.memref_slice %arg5[%dma_wait3A_136, %dma_wait3A_137] : memref<1x73728xf32, #tpu.memory_space<vmem>> -> memref<1x18432xf32, #tpu.memory_space<vmem>>
        %dma_wait3A_139 = arith.constant 0 : i32
        %dma_wait3A_140 = arith.constant 0 : i32
        %dma_wait3A_141 = tpu.memref_slice %arg2[%dma_wait3A_139, %dma_wait3A_140] : memref<128x18432xf32, #tpu.memory_space<hbm>> -> memref<1x18432xf32, #tpu.memory_space<hbm>>
        %dma_wait3A_142 = arith.constant 0 : i32
        %dma_wait3A_143 = arith.constant 0 : i32
        %dma_wait3A_144 = tpu.memref_slice %arg5[%dma_wait3A_142, %dma_wait3A_143] : memref<1x73728xf32, #tpu.memory_space<vmem>> -> memref<1x18432xf32, #tpu.memory_space<vmem>>
        %dma_wait3A_145 = arith.constant 0 : i32
        %dma_wait3A_146 = arith.constant 0 : i32
        %dma_wait3A_147 = tpu.memref_slice %arg2[%dma_wait3A_145, %dma_wait3A_146] : memref<128x18432xf32, #tpu.memory_space<hbm>> -> memref<1x18432xf32, #tpu.memory_space<hbm>>
        tpu.wait_dma2 semaphore(%arg7 : memref<!tpu.dma_semaphore, #tpu.memory_space<semaphore_mem>>) src(%dma_wait3A_147 : memref<1x18432xf32, #tpu.memory_space<hbm>>) dst(%dma_wait3A_144 : memref<1x18432xf32, #tpu.memory_space<vmem>>)
        %dma_wait3A_148 = arith.constant 0 : i32
        %dma_wait3A_149 = arith.constant 0 : i32
        %dma_wait3A_150 = tpu.memref_slice %arg5[%dma_wait3A_148, %dma_wait3A_149] : memref<1x73728xf32, #tpu.memory_space<vmem>> -> memref<1x18432xf32, #tpu.memory_space<vmem>>
        %dma_wait3A_151 = arith.constant 0 : i32
        %dma_wait3A_152 = arith.constant 0 : i32
        %dma_wait3A_153 = tpu.memref_slice %arg2[%dma_wait3A_151, %dma_wait3A_152] : memref<128x18432xf32, #tpu.memory_space<hbm>> -> memref<1x18432xf32, #tpu.memory_space<hbm>>
        %dma_wait3A_154 = arith.constant 0 : i32
        %dma_wait3A_155 = arith.constant 0 : i32
        %dma_wait3A_156 = tpu.memref_slice %arg5[%dma_wait3A_154, %dma_wait3A_155] : memref<1x73728xf32, #tpu.memory_space<vmem>> -> memref<1x18432xf32, #tpu.memory_space<vmem>>
        %dma_wait3A_157 = arith.constant 0 : i32
        %dma_wait3A_158 = arith.constant 0 : i32
        %dma_wait3A_159 = tpu.memref_slice %arg2[%dma_wait3A_157, %dma_wait3A_158] : memref<128x18432xf32, #tpu.memory_space<hbm>> -> memref<1x18432xf32, #tpu.memory_space<hbm>>
        tpu.wait_dma2 semaphore(%arg7 : memref<!tpu.dma_semaphore, #tpu.memory_space<semaphore_mem>>) src(%dma_wait3A_159 : memref<1x18432xf32, #tpu.memory_space<hbm>>) dst(%dma_wait3A_156 : memref<1x18432xf32, #tpu.memory_space<vmem>>)
        %dma_wait3A_160 = arith.constant 0 : i32
        %dma_wait3A_161 = arith.constant 0 : i32
        %dma_wait3A_162 = tpu.memref_slice %arg5[%dma_wait3A_160, %dma_wait3A_161] : memref<1x73728xf32, #tpu.memory_space<vmem>> -> memref<1x18432xf32, #tpu.memory_space<vmem>>
        %dma_wait3A_163 = arith.constant 0 : i32
        %dma_wait3A_164 = arith.constant 0 : i32
        %dma_wait3A_165 = tpu.memref_slice %arg2[%dma_wait3A_163, %dma_wait3A_164] : memref<128x18432xf32, #tpu.memory_space<hbm>> -> memref<1x18432xf32, #tpu.memory_space<hbm>>
        %dma_wait3A_166 = arith.constant 0 : i32
        %dma_wait3A_167 = arith.constant 0 : i32
        %dma_wait3A_168 = tpu.memref_slice %arg5[%dma_wait3A_166, %dma_wait3A_167] : memref<1x73728xf32, #tpu.memory_space<vmem>> -> memref<1x18432xf32, #tpu.memory_space<vmem>>
        %dma_wait3A_169 = arith.constant 0 : i32
        %dma_wait3A_170 = arith.constant 0 : i32
        %dma_wait3A_171 = tpu.memref_slice %arg2[%dma_wait3A_169, %dma_wait3A_170] : memref<128x18432xf32, #tpu.memory_space<hbm>> -> memref<1x18432xf32, #tpu.memory_space<hbm>>
        tpu.wait_dma2 semaphore(%arg7 : memref<!tpu.dma_semaphore, #tpu.memory_space<semaphore_mem>>) src(%dma_wait3A_171 : memref<1x18432xf32, #tpu.memory_space<hbm>>) dst(%dma_wait3A_168 : memref<1x18432xf32, #tpu.memory_space<vmem>>)
        %dma_wait3A_172 = arith.constant 0 : i32
        %dma_wait3A_173 = arith.constant 0 : i32
        %dma_wait3A_174 = tpu.memref_slice %arg5[%dma_wait3A_172, %dma_wait3A_173] : memref<1x73728xf32, #tpu.memory_space<vmem>> -> memref<1x18432xf32, #tpu.memory_space<vmem>>
        %dma_wait3A_175 = arith.constant 0 : i32
        %dma_wait3A_176 = arith.constant 0 : i32
        %dma_wait3A_177 = tpu.memref_slice %arg2[%dma_wait3A_175, %dma_wait3A_176] : memref<128x18432xf32, #tpu.memory_space<hbm>> -> memref<1x18432xf32, #tpu.memory_space<hbm>>
        %dma_wait3A_178 = arith.constant 0 : i32
        %dma_wait3A_179 = arith.constant 0 : i32
        %dma_wait3A_180 = tpu.memref_slice %arg5[%dma_wait3A_178, %dma_wait3A_179] : memref<1x73728xf32, #tpu.memory_space<vmem>> -> memref<1x18432xf32, #tpu.memory_space<vmem>>
        %dma_wait3A_181 = arith.constant 0 : i32
        %dma_wait3A_182 = arith.constant 0 : i32
        %dma_wait3A_183 = tpu.memref_slice %arg2[%dma_wait3A_181, %dma_wait3A_182] : memref<128x18432xf32, #tpu.memory_space<hbm>> -> memref<1x18432xf32, #tpu.memory_space<hbm>>
        tpu.wait_dma2 semaphore(%arg7 : memref<!tpu.dma_semaphore, #tpu.memory_space<semaphore_mem>>) src(%dma_wait3A_183 : memref<1x18432xf32, #tpu.memory_space<hbm>>) dst(%dma_wait3A_180 : memref<1x18432xf32, #tpu.memory_space<vmem>>)
        %dma_wait3A_184 = arith.constant 0 : i32
        %dma_wait3A_185 = arith.constant 0 : i32
        %dma_wait3A_186 = tpu.memref_slice %arg5[%dma_wait3A_184, %dma_wait3A_185] : memref<1x73728xf32, #tpu.memory_space<vmem>> -> memref<1x18432xf32, #tpu.memory_space<vmem>>
        %dma_wait3A_187 = arith.constant 0 : i32
        %dma_wait3A_188 = arith.constant 0 : i32
        %dma_wait3A_189 = tpu.memref_slice %arg2[%dma_wait3A_187, %dma_wait3A_188] : memref<128x18432xf32, #tpu.memory_space<hbm>> -> memref<1x18432xf32, #tpu.memory_space<hbm>>
        %dma_wait3A_190 = arith.constant 0 : i32
        %dma_wait3A_191 = arith.constant 0 : i32
        %dma_wait3A_192 = tpu.memref_slice %arg5[%dma_wait3A_190, %dma_wait3A_191] : memref<1x73728xf32, #tpu.memory_space<vmem>> -> memref<1x18432xf32, #tpu.memory_space<vmem>>
        %dma_wait3A_193 = arith.constant 0 : i32
        %dma_wait3A_194 = arith.constant 0 : i32
        %dma_wait3A_195 = tpu.memref_slice %arg2[%dma_wait3A_193, %dma_wait3A_194] : memref<128x18432xf32, #tpu.memory_space<hbm>> -> memref<1x18432xf32, #tpu.memory_space<hbm>>
        tpu.wait_dma2 semaphore(%arg7 : memref<!tpu.dma_semaphore, #tpu.memory_space<semaphore_mem>>) src(%dma_wait3A_195 : memref<1x18432xf32, #tpu.memory_space<hbm>>) dst(%dma_wait3A_192 : memref<1x18432xf32, #tpu.memory_space<vmem>>)
        %dma_wait3A_196 = arith.constant 0 : i32
        %dma_wait3A_197 = arith.constant 0 : i32
        %dma_wait3A_198 = tpu.memref_slice %arg5[%dma_wait3A_196, %dma_wait3A_197] : memref<1x73728xf32, #tpu.memory_space<vmem>> -> memref<1x18432xf32, #tpu.memory_space<vmem>>
        %dma_wait3A_199 = arith.constant 0 : i32
        %dma_wait3A_200 = arith.constant 0 : i32
        %dma_wait3A_201 = tpu.memref_slice %arg2[%dma_wait3A_199, %dma_wait3A_200] : memref<128x18432xf32, #tpu.memory_space<hbm>> -> memref<1x18432xf32, #tpu.memory_space<hbm>>
        %dma_wait3A_202 = arith.constant 0 : i32
        %dma_wait3A_203 = arith.constant 0 : i32
        %dma_wait3A_204 = tpu.memref_slice %arg5[%dma_wait3A_202, %dma_wait3A_203] : memref<1x73728xf32, #tpu.memory_space<vmem>> -> memref<1x18432xf32, #tpu.memory_space<vmem>>
        %dma_wait3A_205 = arith.constant 0 : i32
        %dma_wait3A_206 = arith.constant 0 : i32
        %dma_wait3A_207 = tpu.memref_slice %arg2[%dma_wait3A_205, %dma_wait3A_206] : memref<128x18432xf32, #tpu.memory_space<hbm>> -> memref<1x18432xf32, #tpu.memory_space<hbm>>
        tpu.wait_dma2 semaphore(%arg7 : memref<!tpu.dma_semaphore, #tpu.memory_space<semaphore_mem>>) src(%dma_wait3A_207 : memref<1x18432xf32, #tpu.memory_space<hbm>>) dst(%dma_wait3A_204 : memref<1x18432xf32, #tpu.memory_space<vmem>>)
        %dma_wait3A_208 = arith.constant 0 : i32
        %dma_wait3A_209 = arith.constant 0 : i32
        %dma_wait3A_210 = tpu.memref_slice %arg5[%dma_wait3A_208, %dma_wait3A_209] : memref<1x73728xf32, #tpu.memory_space<vmem>> -> memref<1x18432xf32, #tpu.memory_space<vmem>>
        %dma_wait3A_211 = arith.constant 0 : i32
        %dma_wait3A_212 = arith.constant 0 : i32
        %dma_wait3A_213 = tpu.memref_slice %arg2[%dma_wait3A_211, %dma_wait3A_212] : memref<128x18432xf32, #tpu.memory_space<hbm>> -> memref<1x18432xf32, #tpu.memory_space<hbm>>
        %dma_wait3A_214 = arith.constant 0 : i32
        %dma_wait3A_215 = arith.constant 0 : i32
        %dma_wait3A_216 = tpu.memref_slice %arg5[%dma_wait3A_214, %dma_wait3A_215] : memref<1x73728xf32, #tpu.memory_space<vmem>> -> memref<1x18432xf32, #tpu.memory_space<vmem>>
        %dma_wait3A_217 = arith.constant 0 : i32
        %dma_wait3A_218 = arith.constant 0 : i32
        %dma_wait3A_219 = tpu.memref_slice %arg2[%dma_wait3A_217, %dma_wait3A_218] : memref<128x18432xf32, #tpu.memory_space<hbm>> -> memref<1x18432xf32, #tpu.memory_space<hbm>>
        tpu.wait_dma2 semaphore(%arg7 : memref<!tpu.dma_semaphore, #tpu.memory_space<semaphore_mem>>) src(%dma_wait3A_219 : memref<1x18432xf32, #tpu.memory_space<hbm>>) dst(%dma_wait3A_216 : memref<1x18432xf32, #tpu.memory_space<vmem>>)
        %dma_wait3A_220 = arith.constant 0 : i32
        %dma_wait3A_221 = arith.constant 0 : i32
        %dma_wait3A_222 = tpu.memref_slice %arg5[%dma_wait3A_220, %dma_wait3A_221] : memref<1x73728xf32, #tpu.memory_space<vmem>> -> memref<1x18432xf32, #tpu.memory_space<vmem>>
        %dma_wait3A_223 = arith.constant 0 : i32
        %dma_wait3A_224 = arith.constant 0 : i32
        %dma_wait3A_225 = tpu.memref_slice %arg2[%dma_wait3A_223, %dma_wait3A_224] : memref<128x18432xf32, #tpu.memory_space<hbm>> -> memref<1x18432xf32, #tpu.memory_space<hbm>>
        %dma_wait3A_226 = arith.constant 0 : i32
        %dma_wait3A_227 = arith.constant 0 : i32
        %dma_wait3A_228 = tpu.memref_slice %arg5[%dma_wait3A_226, %dma_wait3A_227] : memref<1x73728xf32, #tpu.memory_space<vmem>> -> memref<1x18432xf32, #tpu.memory_space<vmem>>
        %dma_wait3A_229 = arith.constant 0 : i32
        %dma_wait3A_230 = arith.constant 0 : i32
        %dma_wait3A_231 = tpu.memref_slice %arg2[%dma_wait3A_229, %dma_wait3A_230] : memref<128x18432xf32, #tpu.memory_space<hbm>> -> memref<1x18432xf32, #tpu.memory_space<hbm>>
        tpu.wait_dma2 semaphore(%arg7 : memref<!tpu.dma_semaphore, #tpu.memory_space<semaphore_mem>>) src(%dma_wait3A_231 : memref<1x18432xf32, #tpu.memory_space<hbm>>) dst(%dma_wait3A_228 : memref<1x18432xf32, #tpu.memory_space<vmem>>)
      } else {
      }
      %ge3A_38 = arith.constant 32 : i32
      %ge3A_39 = arith.cmpi sge, %add3A_33, %ge3A_38 : i32
      %sub3A = arith.constant 16 : i32
      %sub3A_40 = arith.subi %add3A_33, %sub3A : i32
      %select_n3A = arith.select %ge3A_39, %sub3A_40, %add3A_33 : i32
      scf.yield %select_n3A : i32
    }
    %scan3A_16 = arith.constant 256 : i32
    %while3A = arith.constant 0 : i32
    %while3A_17 = arith.constant 0 : i32
    %while3A_18 = arith.subi %scan3A_15, %while3A_17 : i32
    %while3A_19 = arith.addi %while3A_17, %while3A_18 : i32
    %while3A_20 = arith.constant 1 : i32
    %while3A_21 = arith.divsi %while3A_18, %while3A_20 : i32
    %while3A_22 = arith.muli %while3A_21, %while3A_20 : i32
    %while3A_23 = arith.addi %while3A_17, %while3A_22 : i32
    %while3A_24 = arith.constant 1 : i32
    scf.for %while3A_26 = %while3A_17 to %while3A_23 step %while3A_24  : i32 {
      %dma_wait3A = arith.constant 0 : i32
      %dma_wait3A_27 = arith.constant 0 : i32
      %dma_wait3A_28 = tpu.memref_slice %arg5[%dma_wait3A, %dma_wait3A_27] : memref<1x73728xf32, #tpu.memory_space<vmem>> -> memref<1x18432xf32, #tpu.memory_space<vmem>>
      %dma_wait3A_29 = arith.constant 0 : i32
      %dma_wait3A_30 = arith.constant 0 : i32
      %dma_wait3A_31 = tpu.memref_slice %arg2[%dma_wait3A_29, %dma_wait3A_30] : memref<128x18432xf32, #tpu.memory_space<hbm>> -> memref<1x18432xf32, #tpu.memory_space<hbm>>
      %dma_wait3A_32 = arith.constant 0 : i32
      %dma_wait3A_33 = arith.constant 0 : i32
      %dma_wait3A_34 = tpu.memref_slice %arg5[%dma_wait3A_32, %dma_wait3A_33] : memref<1x73728xf32, #tpu.memory_space<vmem>> -> memref<1x18432xf32, #tpu.memory_space<vmem>>
      %dma_wait3A_35 = arith.constant 0 : i32
      %dma_wait3A_36 = arith.constant 0 : i32
      %dma_wait3A_37 = tpu.memref_slice %arg2[%dma_wait3A_35, %dma_wait3A_36] : memref<128x18432xf32, #tpu.memory_space<hbm>> -> memref<1x18432xf32, #tpu.memory_space<hbm>>
      tpu.wait_dma2 semaphore(%arg7 : memref<!tpu.dma_semaphore, #tpu.memory_space<semaphore_mem>>) src(%dma_wait3A_37 : memref<1x18432xf32, #tpu.memory_space<hbm>>) dst(%dma_wait3A_34 : memref<1x18432xf32, #tpu.memory_space<vmem>>)
    }
    %while3A_25 = arith.constant 1 : i32
    scf.for %while3A_26 = %while3A_23 to %while3A_19 step %while3A_25  : i32 {
      %dma_wait3A = arith.constant 0 : i32
      %dma_wait3A_27 = arith.constant 0 : i32
      %dma_wait3A_28 = tpu.memref_slice %arg5[%dma_wait3A, %dma_wait3A_27] : memref<1x73728xf32, #tpu.memory_space<vmem>> -> memref<1x18432xf32, #tpu.memory_space<vmem>>
      %dma_wait3A_29 = arith.constant 0 : i32
      %dma_wait3A_30 = arith.constant 0 : i32
      %dma_wait3A_31 = tpu.memref_slice %arg2[%dma_wait3A_29, %dma_wait3A_30] : memref<128x18432xf32, #tpu.memory_space<hbm>> -> memref<1x18432xf32, #tpu.memory_space<hbm>>
      %dma_wait3A_32 = arith.constant 0 : i32
      %dma_wait3A_33 = arith.constant 0 : i32
      %dma_wait3A_34 = tpu.memref_slice %arg5[%dma_wait3A_32, %dma_wait3A_33] : memref<1x73728xf32, #tpu.memory_space<vmem>> -> memref<1x18432xf32, #tpu.memory_space<vmem>>
      %dma_wait3A_35 = arith.constant 0 : i32
      %dma_wait3A_36 = arith.constant 0 : i32
      %dma_wait3A_37 = tpu.memref_slice %arg2[%dma_wait3A_35, %dma_wait3A_36] : memref<128x18432xf32, #tpu.memory_space<hbm>> -> memref<1x18432xf32, #tpu.memory_space<hbm>>
      tpu.wait_dma2 semaphore(%arg7 : memref<!tpu.dma_semaphore, #tpu.memory_space<semaphore_mem>>) src(%dma_wait3A_37 : memref<1x18432xf32, #tpu.memory_space<hbm>>) dst(%dma_wait3A_34 : memref<1x18432xf32, #tpu.memory_space<vmem>>)
    }
    return
  }
}

</mosaic_0001>

<sc_bundles>
// kernel: kernel.3.cloned.1.call-start
scs
__scs_entry_jumppad:
0x0: {  	(pc) =	sbr.rel $0x88, $3  }
0x1: {  	(tag) =	ssettag $0x0;
	lr =	simm.s32 $0x1  }
0x2: {  	[smem:$0x3F9F] =	sst lr;
	_ =	strace $0xD0000000  }
0x3: {  	_ = 	snop  }
0x4: {  	_ = 	snop  }
0x5: {  	_ = 	snop  }
0x6: {  	_ = 	snop  }
0x7: {  	_ = 	snop  }
__scs_overlays_trampoline_lowered:
0x8: {  	[smem:$0x3FAE] =	sst s0  }
0x9: {  	[smem:$0x3FAF] =	sst s1  }
0xa: {  	[smem:$0x3FB0] =	sst s2  }
0xb: {  	[smem:$0x3FB1] =	sst s3  }
0xc: {  	[smem:$0x3FB2] =	sst s4  }
0xd: {  	[smem:$0x3FB3] =	sst s5  }
0xe: {  	[smem:$0x3FB4] =	sst s6  }
0xf: {  	[smem:$0x3FB5] =	sst s7  }
0x10: {  	[smem:$0x3FB6] =	sst s8  }
0x11: {  	[smem:$0x3FB7] =	sst s9;
	s0 =	simm.s32 @!p0 $0x0  }
0x12: {  	s1 =	sld [smem:$0x3F9D];
	s0 =	simm.s32 @p0 $0x1  }
0x13: {  	[smem:$0x3FB8] =	sst s0;
	s0 =	simm.s32 @!p1 $0x0  }
0x14: {  	s2 =	sld [smem:$0x3F9C];
	s0 =	simm.s32 @p1 $0x1  }
0x15: {  	[smem:$0x3FB9] =	sst s0;
	s0 =	simm.s32 @!p2 $0x0  }
0x16: {  	s3 =	sld [smem:$0x3FDB];
	s0 =	simm.s32 @p2 $0x1  }
0x17: {  	s4 =	simm.s32 $0x1BF5;
	[smem:$0x3FBB] =	sst s0  }
0x18: {  	s0 =	sld [smem:$0x3F9E];
	_ =	swait.ge [sflag:s4], $0x0  }
0x19: {  	s7 =	sld [smem:$0x3F9F]  }
0x1a: {  	s8 =	sadd.s32 $0xFFFFE003, lr  }
0x1b: {  	s9 =	sadd.s32 $0xFFFFFEF7, lr;
	s5 =	simm.s32 $0xFFFFFFFF;
	p2 =	slt.u32 s8, $0xFFFFF086  }
0x1c: {  	p1 =	slt.u32 s9, $0xF7A;
	s5 =	simm.s32 @!p2 $0x0  }
0x1d: {  	s5 =	simm.s32 @p1 $0x1;
	p0 =	seq.s32 s7, s2  }
0x1e: {  	s7 =	smul.u32 @!p0 $0xF7A, s2;
	p2 =	seq.s32 @!p0 s5, $0x0  }
0x1f: {  	s9 =	smul.u32 $0xF7A, s1;
	s8 =	simm.s32 @!p0 $0x1BF5;
	p2 =	por !p2, p0  }
0x20: {  	[sflag:s8] =	ssyncset.s32 @!p0 $0xFFFFF086;
	s6 =	sadd.s32 @!p0 s3, s7;
	s7 =	simm.s32 @!p0 $0x108  }
0x21: {  	s3 =	sadd.s32 s3, s9;
	s6 =	sadd.s32 @!p0 $0x88, s6;
	s7 =	simm.s32 @p2 $0x1082  }
0x22: {  	[simem:s7], [sflag:s8] =	dma.local @!p0 [hbm:s6], $0xF7A  }
0x23: {  	s9 =	sor.u32 $0xD0000000, s2;
	s6 =	simm.s32 $0x108;
	_ =	swait.ge @!p0 [sflag:s8], $0x0  }
0x24: {  	s3 =	sadd.s32 $0x88, s3;
	s6 =	simm.s32 @!p1 $0x1082;
	[sflag:s4] =	ssyncset.s32 $0xFFFFF086  }
0x25: {  	[simem:s6], [sflag:s4] =	dma.local [hbm:s3], $0xF7A  }
0x26: {  	[smem:$0x3F9F] =	sst s1;
	(tag) =	ssettag s2;
	_ =	strace s9  }
0x27: {  	s1 =	sld [smem:$0x3FAF]  }
0x28: {  	s2 =	sld [smem:$0x3FB0]  }
0x29: {  	s4 =	sld [smem:$0x3FB2]  }
0x2a: {  	p0 =	seq.s32 s5, $0x0;
	s5 =	sld [smem:$0x3FB3]  }
0x2b: {  	s6 =	sld [smem:$0x3FB4]  }
0x2c: {  	s7 =	sld [smem:$0x3FB5]  }
0x2d: {  	s3 =	simm.s32 $0x108;
	s8 =	sld [smem:$0x3FB6]  }
0x2e: {  	s3 =	simm.s32 @!p0 $0x1082;
	s9 =	sld [smem:$0x3FB7]  }
0x2f: {  	lr =	sadd.s32 s0, s3;
	s0 =	sld [smem:$0x3FAE]  }
0x30: {  	s3 =	sld [smem:$0x3FB1]  }
0x31: {  	[smem:$0x3FBA] =	sst s10  }
0x32: {  	s10 =	sld [smem:$0x3FB8];
	_ =	sdelay $0x3  }
0x33: {  	p0 =	seq.s32 s10, $0x1;
	s10 =	sld [smem:$0x3FBA];
	_ =	sdelay $0x3  }
0x34: {  	[smem:$0x3FBA] =	sst s10  }
0x35: {  	s10 =	sld [smem:$0x3FB9];
	_ =	sdelay $0x3  }
0x36: {  	p1 =	seq.s32 s10, $0x1;
	s10 =	sld [smem:$0x3FBA];
	_ =	sdelay $0x3  }
0x37: {  	[smem:$0x3FBA] =	sst s10  }
0x38: {  	s10 =	sld [smem:$0x3FBB]  }
0x39: {  	_ = 	snop;
	(pc) =	sbr.ind lr, $3  }
0x3a: {  	_ = 	snop  }
0x3b: {  	_ = 	snop  }
0x3c: {  	p2 =	seq.s32 s10, $0x1;
	s10 =	sld [smem:$0x3FBA]  }
0x3d: {  	_ =	shalt  }
0x3e: {  	_ =	shalt  }
0x3f: {  	_ =	shalt  }
0x40: {  	_ =	shalt  }
0x41: {  	_ =	shalt  }
0x42: {  	_ =	shalt  }
0x43: {  	_ =	shalt  }
0x44: {  	_ =	shalt  }
0x45: {  	_ =	shalt  }
0x46: {  	_ =	shalt  }
0x47: {  	_ =	shalt  }
0x48: {  	_ =	shalt  }
0x49: {  	_ =	shalt  }
0x4a: {  	_ =	shalt  }
0x4b: {  	_ =	shalt  }
0x4c: {  	_ =	shalt  }
0x4d: {  	_ =	shalt  }
0x4e: {  	_ =	shalt  }
0x4f: {  	_ =	shalt  }
0x50: {  	_ =	shalt  }
0x51: {  	_ =	shalt  }
0x52: {  	_ =	shalt  }
0x53: {  	_ =	shalt  }
0x54: {  	_ =	shalt  }
0x55: {  	_ =	shalt  }
0x56: {  	_ =	shalt  }
0x57: {  	_ =	shalt  }
0x58: {  	_ =	shalt  }
0x59: {  	_ =	shalt  }
0x5a: {  	_ =	shalt  }
0x5b: {  	_ =	shalt  }
0x5c: {  	_ =	shalt  }
0x5d: {  	_ =	shalt  }
0x5e: {  	_ =	shalt  }
0x5f: {  	_ =	shalt  }
0x60: {  	_ =	shalt  }
0x61: {  	_ =	shalt  }
0x62: {  	_ =	shalt  }
0x63: {  	_ =	shalt  }
0x64: {  	_ =	shalt  }
0x65: {  	_ =	shalt  }
0x66: {  	_ =	shalt  }
0x67: {  	_ =	shalt  }
0x68: {  	_ =	shalt  }
0x69: {  	_ =	shalt  }
0x6a: {  	_ =	shalt  }
0x6b: {  	_ =	shalt  }
0x6c: {  	_ =	shalt  }
0x6d: {  	_ =	shalt  }
0x6e: {  	_ =	shalt  }
0x6f: {  	_ =	shalt  }
0x70: {  	_ =	shalt  }
0x71: {  	_ =	shalt  }
0x72: {  	_ =	shalt  }
0x73: {  	_ =	shalt  }
0x74: {  	_ =	shalt  }
0x75: {  	_ =	shalt  }
0x76: {  	_ =	shalt  }
0x77: {  	_ =	shalt  }
0x78: {  	_ =	shalt  }
0x79: {  	_ =	shalt  }
0x7a: {  	_ =	shalt  }
0x7b: {  	_ =	shalt  }
0x7c: {  	_ =	shalt  }
0x7d: {  	_ =	shalt  }
0x7e: {  	_ =	shalt  }
0x7f: {  	_ =	shalt  }
0x80: {  	_ =	shalt  }
0x81: {  	_ =	shalt  }
0x82: {  	_ =	shalt  }
0x83: {  	_ =	shalt  }
0x84: {  	_ =	shalt  }
0x85: {  	_ =	shalt  }
0x86: {  	_ =	shalt  }
0x87: {  	_ =	shalt  }
.Lfunc_end0:
.L_simem_size_0:
called_computation_lowered:
.L_overlay_start_0:
0x88: {  	s2 =	sld [smem:$0x3FD9]  }
0x89: {  	s3 =	sld [smem:$0x3FFE];
	_ =	sdelay $0x1  }
0x8a: {  	s1 =	srdreg.scid  }
0x8b: {  	s0 =	sand.u32 $0x1, s1  }
0x8c: {  	s17 =	sshll.u32 s0, $0xA;
	s2 =	sadd.s32 s3, s2  }
0x8d: {  	s2 =	sadd.s32 s2, s17  }
0x8e: {  	[smem:$0x3FC6] =	sst s2  }
0x8f: {  	_ = 	snop  }
0x90: {  	s2 =	sld [smem:$0x3FC8]  }
0x91: {  	s18 =	sld [smem:$0x3FD0];
	(tm) =	ssettm $0x1  }
0x92: {  	s4 =	sld [smem:$0x3FFB];
	_ =	sdelay $0x3  }
0x93: {  	_ =	strace s4  }
0x94: {  	s4 =	sld [smem:$0x3FFC];
	_ =	sdelay $0x3  }
0x95: {  	_ =	strace s4  }
0x96: {  	s4 =	sld [smem:$0x3FFD];
	_ =	sdelay $0x3  }
0x97: {  	_ =	strace s4  }
0x98: {  	_ =	strace $0x8FFFFFFF  }
0x99: {  	s19 =	sld [smem:$0x3FDB];
	_ =	sdelay $0x1  }
0x9a: {  	s5 =	simm.s32 $_scs_section_size  }
0x9b: {  	s6 =	simm.s32 $_size__tile_overlayer_lowered;
	s7 =	simm.s32 $_tile_overlayer_lowered  }
0x9c: {  	s22 =	simm.s32 $0x1BFF;
	s21 =	sshll.u32 s7, $0x1;
	s4 =	sadd.s32 s5, s19  }
0x9d: {  	s8 =	simm.s32 $0x0;
	s20 =	sshll.u32 s6, $0x1;
	s6 =	sadd.s32 s21, s4  }
0x9e: {  	[timem:s8], [sflag:s22] =	dma.local [hbm:s6], s20  }
0x9f: {  	_ =	swait.ge [sflag:s22], s20  }
0xa0: {  	s5 =	ssub.s32 $0x0, s20;
	[sflag:s22] =	ssyncset.done $0x0  }
0xa1: {  	[sflag:s22] =	ssyncadd.s32 s5;
	_ =	sdelay $0x1  }
0xa2: {  	s23 =	simm.s32 $0x1B8B  }
0xa3: {  	_ =	swait.ge [sflag:s23], $0x1  }
0xa4: {  	[sflag:s23] =	ssyncset.done $0x0  }
0xa5: {  	s25 =	simm.s32 $0x1B8E;
	s24 =	sld [smem:$0x3FFE];
	[sflag:s23] =	ssyncadd.s32 $0xFFFFFFFF  }
0xa6: {  	s26 =	simm.s32 $execute0_lowered;
	[smem:$0x3FD2] =	sst s25  }
0xa7: {  	s6 =	sshll.u32 s26, $0x1;
	_ =	strace $0x80000046;
	[dreg:$0x1] =	wrdreg $0xFFFFFFFF  }
0xa8: {  	s28 =	simm.s32 $_size_execute0_lowered;
	s4 =	sadd.s32 s4, s6;
	[dreg:$0x0] =	wrdreg $0x0  }
0xa9: {  	s6 =	sshll.u32 s28, $0x1;
	[dreg:$0x2] =	wrdreg s4  }
0xaa: {  	[dreg:$0x3] =	wrdreg s6  }
0xab: {  	[dreg:$0x4] =	wrdreg $0xC0  }
0xac: {  	_ =	task [dreg:s8], $0x5FFFF  }
0xad: {  	[dreg:$0x1] =	wrdreg $0xFFFFFFFF  }
0xae: {  	[dreg:$0x0] =	wrdreg $0x60  }
0xaf: {  	[dreg:$0x2] =	wrdreg s2  }
0xb0: {  	[dreg:$0x3] =	wrdreg s24  }
0xb1: {  	[dreg:$0x4] =	wrdreg s18  }
0xb2: {  	[dreg:$0x5] =	wrdreg $0x9  }
0xb3: {  	_ =	task.clear_ibuf [dreg:s8], $0x6FFFF;
	_ =	strace $0x90000046  }
0xb4: {  	s29 =	simm.s32 $0x9;
	_ =	strace $0x80000048  }
0xb5: {  	_ =	swait.ge [sflag:s29], $0x1  }
0xb6: {  	[sflag:s29] =	ssyncadd.s32 $0xFFFFFFFF  }
0xb7: {  	_ =	strace $0x90000048  }
0xb8: {  	_ =	sfence  }
0xb9: {  	s30 =	sld [smem:$0x0];
	_ =	sdelay $0x2  }
0xba: {  	s31 =	sshll.u32 s1, $0xD;
	s1 =	sshrl.u32 s1, $0x2  }
0xbb: {  	s3 =	sand.u32 $0x4000, s31;
	s1 =	sadd.s32 s1, s30  }
0xbc: {  	s0 =	sor.u32 s3, s0;
	s1 =	sshll.u32 s1, $0x11  }
0xbd: {  	s0 =	sor.u32 s1, s0  }
0xbe: {  	s0 =	sadd.s32 $0x8F2B, s0  }
0xbf: {  	[sflag:s0] =	ssyncadd.remote.s32 $0x1  }
0xc0: {  	_ =	sfence.sel $0xFFFF  }
0xc1: {  	[dreg:$0x0] =	wrdreg $0xFFFFFFFF;
	(pc) =	sbr.abs _section_cstart, $3  }
0xc2: {  	[dreg:$0x1] =	wrdreg $0xFFFFFFFF  }
0xc3: {  	_ =	task.clear_ibuf [dreg:s8], $0x2FFFF;
	_ =	strace $0x9FFFFFFF  }
0xc4: {  	(tm) =	ssettm $0x7FFFFFFF  }
0xc5: {  	_ =	shalt  }
tec
execute0_lowered:
.L_overlay_start_1:
0x0: {  	(tag) =	ssettag $0x1  }
0x1: {  	s5 =	rddreg [dreg:$0x0]  }
0x2: {  	s9 =	rddreg [dreg:$0x1]  }
0x3: {  	s2 =	rddreg [dreg:$0x2]  }
0x4: {  	s0 =	rddreg [dreg:$0x3]  }
0x5: {  	s3 =	simm.s32 $0x0;
	s4 =	srdreg.scid;
	s1 =	stileid.u32  }
0x6: {  	s12 =	simm.s32 $0x80;
	s13 =	simm.s32 $0x400;
	s14 =	simm.s32 $0x2  }
0x7: {  	s15 =	simm.s32 $0x4800;
	s16 =	simm.s32 $0x9000;
	s17 =	simm.s32 $0xD800  }
0x8: {  	s18 =	simm.s32 $0x1;
	s19 =	simm.s32 $0x0;
	[smem:$0x7FF] =	sst s3  }
0x9: {  	s4 =	sand.u32 $0x1, s4;
	s6 =	smul.u32 $0x24000, s1;
	s10 =	sshll.u32 s1, $0x1  }
0xa: {  	_ =	strace $0x80000047;
	s7 =	sshll.u32 s4, $0x9;
	s8 =	ssub.s32 $0x2, s4  }
.Ltmp0:
0xb: {  	s10 =	sor.u32 s4, s10;
	s6 =	sor.u32 s7, s6;
	(pc) =	sbr.rel .LBB2_1-.Ltmp0, $4  }
0xc: {  	s31 =	sshrl.u32 s8, $0x1;
	s4 =	sshll.u32 s10, $0x2;
	s10 =	sshll.u32 s10, $0xC  }
0xd: {  	s6 =	sshrl.u32 s6, $0x3;
	s11 =	ssub.s32 s8, s31;
	s9 =	sadd.s32 s9, s10  }
0xe: {  	s10 =	sadd.s32 $0x4, s4;
	s5 =	sadd.s32 s5, s6;
	s11 =	smax.u32 s11, $0x1  }
0xf: {  	s6 =	sadd.s32 $0x10, s5;
	s7 =	sadd.s32 $0x20, s5;
	s8 =	sadd.s32 $0x30, s5  }
.LBB2_8:
0x10: {  	[sflag:s18] =	ssyncadd.s32 $0xFFFFB800  }
.LBB2_9:
0x11: {  	s19 =	sadd.s32 $0x1, s19  }
0x12: {  	p0 =	sne.s32 s19, s11  }
.Ltmp1:
0x13: {  	_ = 	snop;
	(pc) =	sbr.rel @!p0 .LBB2_10-.Ltmp1, $1  }
0x14: {  	_ =	sdelay $0x3  }
.LBB2_1:
0x15: {  	[tilespmem:s3], [sflag:$0x2] =	stream.strided.gather [hbm4b:s5+s12], $0x4800, s13, s12, $0x38;
	[tilespmem:$0x1A000] =	vst v63  }
0x16: {  	_ =	swait.ge [sflag:s14], $0x4800  }
0x17: {  	[sflag:s14] =	ssyncset.done $0x0  }
0x18: {  	[sflag:s14] =	ssyncadd.s32 $0xFFFFB800  }
0x19: {  	[tilespmem:s15], [sflag:$0x2] =	stream.strided.gather [hbm4b:s6+s12], $0x4800, s13, s12, $0x38;
	[tilespmem:$0x1A000] =	vst v63  }
0x1a: {  	_ =	swait.ge [sflag:s14], $0x4800  }
0x1b: {  	[sflag:s14] =	ssyncset.done $0x0  }
0x1c: {  	[sflag:s14] =	ssyncadd.s32 $0xFFFFB800  }
0x1d: {  	[tilespmem:s16], [sflag:$0x2] =	stream.strided.gather [hbm4b:s7+s12], $0x4800, s13, s12, $0x38;
	[tilespmem:$0x1A000] =	vst v63  }
0x1e: {  	_ =	swait.ge [sflag:s14], $0x4800  }
0x1f: {  	[sflag:s14] =	ssyncset.done $0x0  }
0x20: {  	[sflag:s14] =	ssyncadd.s32 $0xFFFFB800  }
0x21: {  	[tilespmem:s17], [sflag:$0x2] =	stream.strided.gather [hbm4b:s8+s12], $0x4800, s13, s12, $0x38;
	[tilespmem:$0x1A000] =	vst v63  }
0x22: {  	_ =	swait.ge [sflag:s14], $0x4800  }
0x23: {  	[sflag:s14] =	ssyncset.done $0x0  }
.Ltmp2:
0x24: {  	s21 =	simm.s32 $0x12000;
	[sflag:s14] =	ssyncadd.s32 $0xFFFFB800;
	(pc) =	sbr.rel .LBB2_2-.Ltmp2, $4  }
0x25: {  	[tilespmem:s21], [sflag:$0x2] =	stream.linear.gather [hbm4b:s9+s3], $0x8000, $0x38;
	[tilespmem:$0x1A000] =	vst v63  }
0x26: {  	_ =	swait.ge [sflag:s14], $0x8000  }
0x27: {  	[sflag:s14] =	ssyncset.done $0x0  }
0x28: {  	s22 =	simm.s32 $0x0;
	s20 =	simm.s32 $0x0;
	[sflag:s14] =	ssyncadd.s32 $0xFFFF8000  }
.LBB2_4:
0x29: {  	s20 =	sadd.s32 s20, s23  }
0x2a: {  	p0 =	slt.s32 s20, $0x20  }
0x2b: {  	s23 =	simm.s32 @!p0 $0x1  }
0x2c: {  	_ =	swait.ge @!p0 [sflag:s23], $0x4800  }
0x2d: {  	[sflag:s23] =	ssyncset.done @!p0 $0x0  }
0x2e: {  	[sflag:s23] =	ssyncadd.s32 @!p0 $0xFFFFB800  }
0x2f: {  	_ =	swait.ge @!p0 [sflag:s23], $0x4800  }
0x30: {  	[sflag:s23] =	ssyncset.done @!p0 $0x0  }
0x31: {  	[sflag:s23] =	ssyncadd.s32 @!p0 $0xFFFFB800  }
0x32: {  	_ =	swait.ge @!p0 [sflag:s23], $0x4800  }
0x33: {  	[sflag:s23] =	ssyncset.done @!p0 $0x0  }
0x34: {  	[sflag:s23] =	ssyncadd.s32 @!p0 $0xFFFFB800  }
0x35: {  	_ =	swait.ge @!p0 [sflag:s23], $0x4800  }
0x36: {  	[sflag:s23] =	ssyncset.done @!p0 $0x0  }
0x37: {  	[sflag:s23] =	ssyncadd.s32 @!p0 $0xFFFFB800  }
0x38: {  	_ =	swait.ge @!p0 [sflag:s23], $0x4800  }
0x39: {  	[sflag:s23] =	ssyncset.done @!p0 $0x0  }
0x3a: {  	[sflag:s23] =	ssyncadd.s32 @!p0 $0xFFFFB800  }
0x3b: {  	_ =	swait.ge @!p0 [sflag:s23], $0x4800  }
0x3c: {  	[sflag:s23] =	ssyncset.done @!p0 $0x0  }
0x3d: {  	[sflag:s23] =	ssyncadd.s32 @!p0 $0xFFFFB800  }
0x3e: {  	_ =	swait.ge @!p0 [sflag:s23], $0x4800  }
0x3f: {  	[sflag:s23] =	ssyncset.done @!p0 $0x0  }
0x40: {  	[sflag:s23] =	ssyncadd.s32 @!p0 $0xFFFFB800  }
0x41: {  	_ =	swait.ge @!p0 [sflag:s23], $0x4800  }
0x42: {  	[sflag:s23] =	ssyncset.done @!p0 $0x0  }
0x43: {  	[sflag:s23] =	ssyncadd.s32 @!p0 $0xFFFFB800  }
0x44: {  	_ =	swait.ge @!p0 [sflag:s23], $0x4800  }
0x45: {  	[sflag:s23] =	ssyncset.done @!p0 $0x0  }
0x46: {  	[sflag:s23] =	ssyncadd.s32 @!p0 $0xFFFFB800  }
0x47: {  	_ =	swait.ge @!p0 [sflag:s23], $0x4800  }
0x48: {  	[sflag:s23] =	ssyncset.done @!p0 $0x0  }
0x49: {  	[sflag:s23] =	ssyncadd.s32 @!p0 $0xFFFFB800  }
0x4a: {  	_ =	swait.ge @!p0 [sflag:s23], $0x4800  }
0x4b: {  	[sflag:s23] =	ssyncset.done @!p0 $0x0  }
0x4c: {  	[sflag:s23] =	ssyncadd.s32 @!p0 $0xFFFFB800  }
0x4d: {  	_ =	swait.ge @!p0 [sflag:s23], $0x4800  }
0x4e: {  	[sflag:s23] =	ssyncset.done @!p0 $0x0  }
0x4f: {  	[sflag:s23] =	ssyncadd.s32 @!p0 $0xFFFFB800  }
0x50: {  	_ =	swait.ge @!p0 [sflag:s23], $0x4800  }
0x51: {  	[sflag:s23] =	ssyncset.done @!p0 $0x0  }
0x52: {  	[sflag:s23] =	ssyncadd.s32 @!p0 $0xFFFFB800  }
0x53: {  	_ =	swait.ge @!p0 [sflag:s23], $0x4800  }
0x54: {  	[sflag:s23] =	ssyncset.done @!p0 $0x0  }
0x55: {  	s22 =	sadd.s32 $0x9000, s22;
	[sflag:s23] =	ssyncadd.s32 @!p0 $0xFFFFB800  }
0x56: {  	p2 =	seq.s32 s22, $0x900000;
	_ =	swait.ge @!p0 [sflag:s23], $0x4800  }
.Ltmp3:
0x57: {  	[sflag:s23] =	ssyncset.done @!p0 $0x0;
	(pc) =	sbr.rel @p2 .LBB2_5-.Ltmp3, $4  }
0x58: {  	[sflag:s23] =	ssyncadd.s32 @!p0 $0xFFFFB800  }
0x59: {  	_ =	swait.ge @!p0 [sflag:s23], $0x4800  }
0x5a: {  	p1 =	sgt.s32 s20, $0x1F;
	s24 =	sadd.s32 $0xFFFFFFF0, s20;
	[sflag:s23] =	ssyncset.done @!p0 $0x0  }
0x5b: {  	s21 =	sadd.s32 $0x80, s21;
	s20 =	smov.u32 @p1 s24;
	[sflag:s23] =	ssyncadd.s32 @!p0 $0xFFFFB800  }
.LBB2_2:
0x5c: {  	v0 =	vld [tilespmem:s21+$0x0];
	_ =	sdelay $0x4  }
0x5d: {  	(v2sf) =	vpush v0, $0x8;
	_ =	sdelay $0xe  }
0x5e: {  	s23 =	spop (v2sf)  }
0x5f: {  	p0 =	slt.s32 s23, $0x1  }
.Ltmp4:
0x60: {  	_ = 	snop;
	(pc) =	sbr.rel @p0 .LBB2_4-.Ltmp4, $1  }
0x61: {  	_ =	sdelay $0x3  }
0x62: {  	(v2sf) =	vpush v0, $0x0;
	_ =	sdelay $0x9  }
0x63: {  	(v2sf) =	vpush v0, $0x1;
	_ =	sdelay $0x4  }
0x64: {  	s24 =	spop (v2sf)  }
0x65: {  	s25 =	sand.u32 $0xFFFF, s24  }
0x66: {  	p0 =	slt.u32 s25, s4  }
0x67: {  	p1 =	sge.u32 @!p0 s25, s10  }
0x68: {  	p0 =	por p1, p0  }
0x69: {  	s25 =	ssub.s32 @!p0 s25, s4  }
0x6a: {  	s25 =	smul.u32 @!p0 $0x12000, s25  }
0x6b: {  	(v2sf) =	vpush v0, $0x2;
	s24 =	sshrl.u32 s24, $0x10;
	s26 =	sadd.s32 @!p0 s22, s2  }
0x6c: {  	s28 =	simm.s32 @!p0 $0x80;
	s29 =	simm.s32 @!p0 $0x400;
	s25 =	sshra.s32 @!p0 s25, $0x2  }
0x6d: {  	[hbm4b:s26+s28] =	stream.strided.scatter @!p0 [tilespmem:s25], [sflag:$0x1], $0x4800, s29, s28, $0x38;
	[tilespmem:$0x1A000] =	vst v63  }
0x6e: {  	s31 =	spop (v2sf);
	p0 =	slt.u32 s24, s4  }
0x6f: {  	s26 =	sand.u32 $0xFFFF, s31;
	p1 =	sge.u32 @!p0 s24, s10  }
0x70: {  	p0 =	por p1, p0;
	p1 =	slt.u32 s26, s4  }
0x71: {  	s24 =	ssub.s32 @!p0 s24, s4;
	p2 =	sge.u32 @!p1 s26, s10  }
0x72: {  	s28 =	sadd.s32 @!p0 s22, s2;
	s24 =	smul.u32 @!p0 $0x12000, s24;
	p1 =	por p2, p1  }
0x73: {  	s29 =	simm.s32 @!p0 $0x80;
	s30 =	simm.s32 @!p0 $0x400;
	s26 =	ssub.s32 @!p1 s26, s4  }
0x74: {  	s28 =	sadd.s32 @!p0 $0x10, s28;
	s24 =	sshra.s32 @!p0 s24, $0x2;
	s26 =	smul.u32 @!p1 $0x12000, s26  }
0x75: {  	[hbm4b:s28+s29] =	stream.strided.scatter @!p0 [tilespmem:s24], [sflag:$0x1], $0x4800, s30, s29, $0x38;
	[tilespmem:$0x1A000] =	vst v63  }
0x76: {  	s24 =	sshra.s32 @!p1 s26, $0x2;
	s26 =	sadd.s32 @!p1 s22, s2  }
0x77: {  	(v2sf) =	vpush v0, $0x3;
	s28 =	simm.s32 @!p1 $0x80;
	s29 =	simm.s32 @!p1 $0x400;
	s26 =	sadd.s32 @!p1 $0x20, s26  }
0x78: {  	[hbm4b:s26+s28] =	stream.strided.scatter @!p1 [tilespmem:s24], [sflag:$0x1], $0x4800, s29, s28, $0x38;
	[tilespmem:$0x1A000] =	vst v63  }
0x79: {  	s24 =	sshrl.u32 s31, $0x10  }
0x7a: {  	s31 =	spop (v2sf);
	p0 =	slt.u32 s24, s4  }
0x7b: {  	s26 =	sand.u32 $0xFFFF, s31;
	p1 =	sge.u32 @!p0 s24, s10  }
0x7c: {  	p0 =	por p1, p0;
	p1 =	slt.u32 s26, s4  }
0x7d: {  	s24 =	ssub.s32 @!p0 s24, s4;
	p2 =	sge.u32 @!p1 s26, s10  }
0x7e: {  	s28 =	sadd.s32 @!p0 s22, s2;
	s24 =	smul.u32 @!p0 $0x12000, s24;
	p1 =	por p2, p1  }
0x7f: {  	s29 =	simm.s32 @!p0 $0x80;
	s30 =	simm.s32 @!p0 $0x400;
	s26 =	ssub.s32 @!p1 s26, s4  }
0x80: {  	s28 =	sadd.s32 @!p0 $0x30, s28;
	s24 =	sshra.s32 @!p0 s24, $0x2;
	s26 =	smul.u32 @!p1 $0x12000, s26  }
0x81: {  	[hbm4b:s28+s29] =	stream.strided.scatter @!p0 [tilespmem:s24], [sflag:$0x1], $0x4800, s30, s29, $0x38;
	[tilespmem:$0x1A000] =	vst v63  }
0x82: {  	s24 =	sshra.s32 @!p1 s26, $0x2;
	s26 =	sadd.s32 @!p1 s22, s2  }
0x83: {  	(v2sf) =	vpush v0, $0x4;
	s28 =	simm.s32 @!p1 $0x80;
	s29 =	simm.s32 @!p1 $0x400;
	s26 =	sadd.s32 @!p1 $0x40, s26  }
0x84: {  	[hbm4b:s26+s28] =	stream.strided.scatter @!p1 [tilespmem:s24], [sflag:$0x1], $0x4800, s29, s28, $0x38;
	[tilespmem:$0x1A000] =	vst v63  }
0x85: {  	s24 =	sshrl.u32 s31, $0x10  }
0x86: {  	s31 =	spop (v2sf);
	p0 =	slt.u32 s24, s4  }
0x87: {  	s26 =	sand.u32 $0xFFFF, s31;
	p1 =	sge.u32 @!p0 s24, s10  }
0x88: {  	p0 =	por p1, p0;
	p1 =	slt.u32 s26, s4  }
0x89: {  	s24 =	ssub.s32 @!p0 s24, s4;
	p2 =	sge.u32 @!p1 s26, s10  }
0x8a: {  	s28 =	sadd.s32 @!p0 s22, s2;
	s24 =	smul.u32 @!p0 $0x12000, s24;
	p1 =	por p2, p1  }
0x8b: {  	s29 =	simm.s32 @!p0 $0x80;
	s30 =	simm.s32 @!p0 $0x400;
	s26 =	ssub.s32 @!p1 s26, s4  }
0x8c: {  	s28 =	sadd.s32 @!p0 $0x50, s28;
	s24 =	sshra.s32 @!p0 s24, $0x2;
	s26 =	smul.u32 @!p1 $0x12000, s26  }
0x8d: {  	[hbm4b:s28+s29] =	stream.strided.scatter @!p0 [tilespmem:s24], [sflag:$0x1], $0x4800, s30, s29, $0x38;
	[tilespmem:$0x1A000] =	vst v63  }
0x8e: {  	s24 =	sshra.s32 @!p1 s26, $0x2;
	s26 =	sadd.s32 @!p1 s22, s2  }
0x8f: {  	(v2sf) =	vpush v0, $0x5;
	s28 =	simm.s32 @!p1 $0x80;
	s29 =	simm.s32 @!p1 $0x400;
	s26 =	sadd.s32 @!p1 $0x60, s26  }
0x90: {  	[hbm4b:s26+s28] =	stream.strided.scatter @!p1 [tilespmem:s24], [sflag:$0x1], $0x4800, s29, s28, $0x38;
	[tilespmem:$0x1A000] =	vst v63  }
0x91: {  	s24 =	sshrl.u32 s31, $0x10  }
0x92: {  	s31 =	spop (v2sf);
	p0 =	slt.u32 s24, s4  }
0x93: {  	s26 =	sand.u32 $0xFFFF, s31;
	p1 =	sge.u32 @!p0 s24, s10  }
0x94: {  	p0 =	por p1, p0;
	p1 =	slt.u32 s26, s4  }
0x95: {  	s24 =	ssub.s32 @!p0 s24, s4;
	p2 =	sge.u32 @!p1 s26, s10  }
0x96: {  	s28 =	sadd.s32 @!p0 s22, s2;
	s24 =	smul.u32 @!p0 $0x12000, s24;
	p1 =	por p2, p1  }
0x97: {  	s29 =	simm.s32 @!p0 $0x80;
	s30 =	simm.s32 @!p0 $0x400;
	s26 =	ssub.s32 @!p1 s26, s4  }
0x98: {  	s28 =	sadd.s32 @!p0 $0x70, s28;
	s24 =	sshra.s32 @!p0 s24, $0x2;
	s26 =	smul.u32 @!p1 $0x12000, s26  }
0x99: {  	[hbm4b:s28+s29] =	stream.strided.scatter @!p0 [tilespmem:s24], [sflag:$0x1], $0x4800, s30, s29, $0x38;
	[tilespmem:$0x1A000] =	vst v63  }
0x9a: {  	s24 =	sshra.s32 @!p1 s26, $0x2;
	s26 =	sadd.s32 @!p1 s22, s2  }
0x9b: {  	s28 =	simm.s32 @!p1 $0x80;
	s29 =	simm.s32 @!p1 $0x400;
	s26 =	sadd.s32 @!p1 $0x4800, s26  }
0x9c: {  	[hbm4b:s26+s28] =	stream.strided.scatter @!p1 [tilespmem:s24], [sflag:$0x1], $0x4800, s29, s28, $0x38;
	[tilespmem:$0x1A000] =	vst v63  }
0x9d: {  	(v2sf) =	vpush v0, $0x6;
	s24 =	sshrl.u32 s31, $0x10  }
0x9e: {  	s31 =	spop (v2sf);
	p0 =	slt.u32 s24, s4  }
0x9f: {  	s26 =	sand.u32 $0xFFFF, s31;
	p1 =	sge.u32 @!p0 s24, s10  }
0xa0: {  	p0 =	por p1, p0;
	p1 =	slt.u32 s26, s4  }
0xa1: {  	s24 =	ssub.s32 @!p0 s24, s4;
	p2 =	sge.u32 @!p1 s26, s10  }
0xa2: {  	s28 =	sadd.s32 @!p0 s22, s2;
	s24 =	smul.u32 @!p0 $0x12000, s24;
	p1 =	por p2, p1  }
0xa3: {  	s29 =	simm.s32 @!p0 $0x80;
	s30 =	simm.s32 @!p0 $0x400;
	s26 =	ssub.s32 @!p1 s26, s4  }
0xa4: {  	s28 =	sadd.s32 @!p0 $0x4810, s28;
	s24 =	sshra.s32 @!p0 s24, $0x2;
	s26 =	smul.u32 @!p1 $0x12000, s26  }
0xa5: {  	[hbm4b:s28+s29] =	stream.strided.scatter @!p0 [tilespmem:s24], [sflag:$0x1], $0x4800, s30, s29, $0x38;
	[tilespmem:$0x1A000] =	vst v63  }
0xa6: {  	s24 =	sshra.s32 @!p1 s26, $0x2;
	s26 =	sadd.s32 @!p1 s22, s2  }
0xa7: {  	s28 =	simm.s32 @!p1 $0x80;
	s29 =	simm.s32 @!p1 $0x400;
	s26 =	sadd.s32 @!p1 $0x4820, s26  }
0xa8: {  	[hbm4b:s26+s28] =	stream.strided.scatter @!p1 [tilespmem:s24], [sflag:$0x1], $0x4800, s29, s28, $0x38;
	[tilespmem:$0x1A000] =	vst v63  }
0xa9: {  	s24 =	sshrl.u32 s31, $0x10  }
0xaa: {  	p0 =	slt.u32 s24, s4  }
0xab: {  	p1 =	sge.u32 @!p0 s24, s10  }
0xac: {  	s30 =	spop (v2sf);
	(v2sf) =	vpush v0, $0x7;
	p0 =	por p1, p0  }
0xad: {  	s24 =	ssub.s32 @!p0 s24, s4  }
0xae: {  	s24 =	smul.u32 @!p0 $0x12000, s24  }
0xaf: {  	s25 =	sadd.s32 @!p0 s22, s2;
	s26 =	simm.s32 @!p0 $0x80  }
0xb0: {  	s28 =	simm.s32 @!p0 $0x400;
	s25 =	sadd.s32 @!p0 $0x4830, s25;
	s24 =	sshra.s32 @!p0 s24, $0x2  }
0xb1: {  	[hbm4b:s25+s26] =	stream.strided.scatter @!p0 [tilespmem:s24], [sflag:$0x1], $0x4800, s28, s26, $0x38;
	[tilespmem:$0x1A000] =	vst v63  }
0xb2: {  	s24 =	sand.u32 $0xFFFF, s30  }
0xb3: {  	p0 =	slt.u32 s24, s4  }
0xb4: {  	s25 =	sshrl.u32 s30, $0x10;
	p1 =	sge.u32 @!p0 s24, s10  }
0xb5: {  	p0 =	por p1, p0;
	p1 =	slt.u32 s25, s4  }
0xb6: {  	s24 =	ssub.s32 @!p0 s24, s4;
	p2 =	sge.u32 @!p1 s25, s10  }
0xb7: {  	s26 =	sadd.s32 @!p0 s22, s2;
	s24 =	smul.u32 @!p0 $0x12000, s24;
	p1 =	por p2, p1  }
0xb8: {  	s28 =	simm.s32 @!p0 $0x80;
	s29 =	simm.s32 @!p0 $0x400;
	s25 =	ssub.s32 @!p1 s25, s4  }
0xb9: {  	s26 =	sadd.s32 @!p0 $0x4840, s26;
	s24 =	sshra.s32 @!p0 s24, $0x2;
	s25 =	smul.u32 @!p1 $0x12000, s25  }
0xba: {  	[hbm4b:s26+s28] =	stream.strided.scatter @!p0 [tilespmem:s24], [sflag:$0x1], $0x4800, s29, s28, $0x38;
	[tilespmem:$0x1A000] =	vst v63  }
0xbb: {  	s31 =	spop (v2sf);
	s24 =	sshra.s32 @!p1 s25, $0x2;
	s25 =	sadd.s32 @!p1 s22, s2  }
0xbc: {  	s26 =	simm.s32 @!p1 $0x80;
	s28 =	simm.s32 @!p1 $0x400;
	s25 =	sadd.s32 @!p1 $0x4850, s25  }
0xbd: {  	[hbm4b:s25+s26] =	stream.strided.scatter @!p1 [tilespmem:s24], [sflag:$0x1], $0x4800, s28, s26, $0x38;
	[tilespmem:$0x1A000] =	vst v63  }
0xbe: {  	s25 =	sand.u32 $0xFFFF, s31  }
0xbf: {  	p0 =	slt.u32 s25, s4  }
0xc0: {  	s24 =	sshrl.u32 s31, $0x10;
	p1 =	sge.u32 @!p0 s25, s10  }
0xc1: {  	p0 =	por p1, p0;
	p1 =	slt.u32 s24, s4  }
0xc2: {  	p2 =	sge.u32 @!p1 s24, s10  }
0xc3: {  	s25 =	ssub.s32 @!p0 s25, s4;
	p1 =	por p2, p1  }
0xc4: {  	s26 =	sadd.s32 @!p0 s22, s2;
	s25 =	smul.u32 @!p0 $0x12000, s25;
	s24 =	ssub.s32 @!p1 s24, s4  }
0xc5: {  	s28 =	simm.s32 @!p0 $0x80;
	s29 =	simm.s32 @!p0 $0x400;
	s24 =	smul.u32 @!p1 $0x12000, s24  }
.Ltmp5:
0xc6: {  	s26 =	sadd.s32 @!p0 $0x4860, s26;
	s25 =	sshra.s32 @!p0 s25, $0x2;
	(pc) =	sbr.rel .LBB2_4-.Ltmp5, $4  }
0xc7: {  	[hbm4b:s26+s28] =	stream.strided.scatter @!p0 [tilespmem:s25], [sflag:$0x1], $0x4800, s29, s28, $0x38;
	[tilespmem:$0x1A000] =	vst v63  }
0xc8: {  	s25 =	sadd.s32 @!p1 s22, s2;
	s26 =	simm.s32 @!p1 $0x80  }
0xc9: {  	s28 =	simm.s32 @!p1 $0x400;
	s24 =	sshra.s32 @!p1 s24, $0x2;
	s25 =	sadd.s32 @!p1 $0x4870, s25  }
0xca: {  	[hbm4b:s25+s26] =	stream.strided.scatter @!p1 [tilespmem:s24], [sflag:$0x1], $0x4800, s28, s26, $0x38;
	[tilespmem:$0x1A000] =	vst v63  }
.LBB2_5:
0xcb: {  	p0 =	sgt.s32 s20, $0x0  }
.Ltmp6:
0xcc: {  	_ = 	snop;
	(pc) =	sbr.rel @!p0 .LBB2_9-.Ltmp6, $1  }
0xcd: {  	_ =	sdelay $0x3  }
0xce: {  	p0 =	sne.s32 s20, $0x1  }
.Ltmp7:
0xcf: {  	_ = 	snop;
	(pc) =	sbr.rel @!p0 .LBB2_8-.Ltmp7, $3  }
0xd0: {  	_ =	sdelay $0x1  }
0xd1: {  	_ =	swait.ge [sflag:s18], $0x4800  }
0xd2: {  	s20 =	sadd.s32 $0xFFFFFFFF, s20;
	[sflag:s18] =	ssyncset.done $0x0  }
.LBB2_7:
0xd3: {  	p0 =	sne.s32 s20, $0x1;
	s20 =	sadd.s32 $0xFFFFFFFF, s20;
	[sflag:s18] =	ssyncadd.s32 $0xFFFFB800  }
.Ltmp8:
0xd4: {  	(pc) =	sbr.rel @p0 .LBB2_7-.Ltmp8, $3  }
0xd5: {  	_ =	sdelay $0x1  }
0xd6: {  	_ =	swait.ge [sflag:s18], $0x4800  }
0xd7: {  	[sflag:s18] =	ssyncset.done $0x0  }
.Ltmp9:
0xd8: {  	_ = 	snop;
	(pc) =	sbr.rel .LBB2_8-.Ltmp9, $1  }
0xd9: {  	_ =	sdelay $0x3  }
.LBB2_10:
0xda: {  	_ =	sfence.sel $0x180000  }
0xdb: {  	[bflag:$0x0] =	sbarrier.arrive $0xFFFF  }
0xdc: {  	p0 =	sne.s32 s1, $0x0;
	_ =	strace $0x90000047  }
0xdd: {  	s0 =	sadd.s32 @!p0 $0x100000, s0;
	[bflag:$0x2] =	sbarrier.arrive $0xFFFF  }
0xde: {  	[sflag:s0] =	ssyncadd.tile.s32 @!p0 $0x1;
	_ =	shalt  }
.Lfunc_end2:
_tile_overlayer_lowered:
.L_overlay_start_2:
0xdf: {  	(tag) =	ssettag $0x2  }
0xe0: {  	s0 =	rddreg [dreg:$0x0];
	s2 =	stileid.u32  }
0xe1: {  	s1 =	rddreg [dreg:$0x1];
	p0 =	sne.s32 s2, $0x0  }
0xe2: {  	s3 =	rddreg [dreg:$0x2];
	[bflag:$0x3] =	sbarrier.arrive $0xFFFF;
	s2 =	simm.s32 @!p0 $0x1C02  }
0xe3: {  	[timem:s3], [sflag:s2] =	dma.local @!p0 [hbm:s0], s1  }
0xe4: {  	s0 =	simm.s32 @!p0 $0x2  }
0xe5: {  	_ =	swait.ge @!p0 [sflag:s0], s1  }
0xe6: {  	s1 =	ssub.s32 @!p0 $0x0, s1;
	[sflag:s0] =	ssyncset.done @!p0 $0x0  }
0xe7: {  	[sflag:s0] =	ssyncadd.s32 @!p0 s1  }
0xe8: {  	[bflag:$0x3] =	sbarrier.arrive $0xFFFF  }
0xe9: {  	_ =	shalt  }

</sc_bundles>
